<compile_context>
chip_gen: v7x
topology: tpu7x:2x2x1
jax: 0.10.2.dev20260603
libtpu: 0.0.44.dev20260713+nightly
codegen_flags: <defaults>
</compile_context>

<pallas_src>
import functools

import jax
import jax.numpy as jnp
import numpy as np
from jax import lax
from jax.experimental import pallas as pl
from jax.experimental.pallas import tpu as pltpu
from jax.experimental.pallas import tpu_sc as plsc

NC, NS, LANES = 2, 16, 16
NW = NC * NS
ROWS = 100000
SIZE_IN_K = 512
SIZE_OUT_K = 128

ROWS_SC = 15000
SLABS = ROWS_SC // 8
SLABS_BASE = SLABS // NW
EXTRA = SLABS - SLABS_BASE * NW
assert ROWS_SC % 8 == 0 and 0 <= EXTRA < NW
ROWS_TC = ROWS - ROWS_SC
BLOCK_R = 5000
assert ROWS_TC % BLOCK_R == 0

R_CHUNK = 24
NCHUNK = SLABS_BASE // 3
REM_SLABS = SLABS_BASE - 3 * NCHUNK
MAX_TAIL = REM_SLABS + 1
VPER = R_CHUNK * SIZE_OUT_K // LANES
VPER_TAIL = 8 * SIZE_OUT_K // LANES

_MESH = plsc.VectorSubcoreMesh(core_axis_name="c", subcore_axis_name="s")


@functools.partial(
    pl.kernel,
    out_type=jax.ShapeDtypeStruct((ROWS_SC, SIZE_OUT_K), jnp.float32),
    mesh=_MESH,
    compiler_params=pltpu.CompilerParams(needs_layout_passes=False),
    scratch_types=[
        pltpu.VMEM((R_CHUNK, SIZE_IN_K), jnp.float32),
        pltpu.VMEM((R_CHUNK, SIZE_IN_K), jnp.float32),
        pltpu.VMEM((R_CHUNK, SIZE_OUT_K), jnp.float32),
        pltpu.VMEM((R_CHUNK, SIZE_OUT_K), jnp.float32),
        pltpu.SemaphoreType.DMA,
        pltpu.SemaphoreType.DMA,
        pltpu.SemaphoreType.DMA,
        pltpu.SemaphoreType.DMA,
    ],
)
def _sc_seg_sum(x_hbm, out_hbm, in0, in1, o0, o1, si0, si1, so0, so1):
    ins, outs = [in0, in1], [o0, o1]
    sis, sos = [si0, si1], [so0, so1]
    wid = lax.axis_index("s") * NC + lax.axis_index("c")
    s0 = SLABS_BASE * wid + jnp.minimum(wid, EXTRA)
    r0 = ROWS_TC + s0 * 8
    q0 = s0 * 8
    has_tail = wid < EXTRA
    lane = lax.iota(jnp.int32, 16)
    quad = lax.shift_right_logical(lane, 2)
    cphase = [lane * 4 + ((quad + g) & 3) for g in range(4)]

    def in_copy(i, b):
        return pltpu.make_async_copy(
            x_hbm.at[pl.ds(r0 + i * R_CHUNK, R_CHUNK)], ins[b], sis[b])

    def out_copy(i, b):
        return pltpu.make_async_copy(
            outs[b], out_hbm.at[pl.ds(q0 + i * R_CHUNK, R_CHUNK)], sos[b])

    def compute(b, nv):
        in_v, out_v = ins[b], outs[b]

        @plsc.parallel_loop(0, nv, 1, unroll=8)
        def step(v):
            row = v >> 3
            j = v & 7
            ridx = jnp.full((16,), row, jnp.int32)
            coff = j * 64
            a = (plsc.load_gather(in_v, [ridx, cphase[0] + coff])
                 + plsc.load_gather(in_v, [ridx, cphase[1] + coff])
                 + plsc.load_gather(in_v, [ridx, cphase[2] + coff])
                 + plsc.load_gather(in_v, [ridx, cphase[3] + coff]))
            out_v[row, pl.ds(j * 16, 16)] = a

    in_copy(0, 0).start()
    in_copy(1, 1).start()

    def pair(g2, carry):
        for b in range(2):
            i = 2 * g2 + b

            @pl.when(i >= 2)
            def _wait_outbuf():
                out_copy(i - 2, b).wait()

            in_copy(i, b).wait()
            compute(b, VPER)
            out_copy(i, b).start()

            @pl.when(i + 2 < NCHUNK)
            def _prefetch():
                in_copy(i + 2, b).start()

        return carry

    lax.fori_loop(0, NCHUNK // 2, pair, 0)

    if NCHUNK % 2:
        i = NCHUNK - 1
        out_copy(i - 2, 0).wait()
        in_copy(i, 0).wait()
        compute(0, VPER)
        out_copy(i, 0).start()

    last_b0 = NCHUNK - 1 if (NCHUNK - 1) % 2 == 0 else NCHUNK - 2
    last_b1 = NCHUNK - 1 if (NCHUNK - 1) % 2 == 1 else NCHUNK - 2
    out_copy(last_b0, 0).wait()

    tail_slabs = REM_SLABS + jnp.where(has_tail, 1, 0)
    for t in range(MAX_TAIL):
        @pl.when(t < tail_slabs)
        def _tail(t=t):
            tr0 = r0 + NCHUNK * R_CHUNK + t * 8
            tq0 = q0 + NCHUNK * R_CHUNK + t * 8
            tin = pltpu.make_async_copy(
                x_hbm.at[pl.ds(tr0, 8)], ins[0].at[pl.ds(0, 8)], sis[0])
            tin.start()
            tin.wait()
            compute(0, VPER_TAIL)
            tout = pltpu.make_async_copy(
                outs[0].at[pl.ds(0, 8)], out_hbm.at[pl.ds(tq0, 8)], sos[0])
            tout.start()
            tout.wait()

    out_copy(last_b1, 1).wait()


_SEL = np.zeros((SIZE_IN_K, SIZE_OUT_K), np.float32)
_SEL[np.arange(SIZE_IN_K), np.arange(SIZE_IN_K) // 4] = 1.0


def _tc_body(x_ref, s_ref, o_ref):
    o_ref[...] = jnp.dot(x_ref[...], s_ref[...],
                         preferred_element_type=jnp.float32)


_tc_seg_sum = pl.pallas_call(
    _tc_body,
    grid=(ROWS_TC // BLOCK_R,),
    in_specs=[
        pl.BlockSpec((BLOCK_R, SIZE_IN_K), lambda i: (i, 0)),
        pl.BlockSpec((SIZE_IN_K, SIZE_OUT_K), lambda i: (0, 0)),
    ],
    out_specs=pl.BlockSpec((BLOCK_R, SIZE_OUT_K), lambda i: (i, 0)),
    out_shape=jax.ShapeDtypeStruct((ROWS, SIZE_OUT_K), jnp.float32),
)


def kernel(x):
    out_sc = _sc_seg_sum(x)
    out_tc = _tc_seg_sum(x, jnp.asarray(_SEL))
    return lax.dynamic_update_slice(out_tc, out_sc, (ROWS_TC, 0))

# --- scband reference (transcript-rebuilt; emitter-appended) ---
"""Pipeline reference for scband-sum-aggregation-layer-v2-87574383165771 (READ-ONLY COPY).

The authoritative reference and input builder live on the scoring server;
editing this copy changes nothing except your own understanding.
"""

import jax, jax.numpy as jnp
import numpy as np

SIZE_IN = 512
SIZE_OUT = 128


def _build_indices(size_in, size_out):
    num_components = int(np.ceil(size_in / size_out))
    if size_in / num_components < size_out:
        num_components = int(np.floor(size_in / size_out))
    idx = []
    current = []
    k = 0
    currentComponents = num_components
    if size_in % size_out > k:
        currentComponents += 1
    for v in range(size_in):
        current.append(v)
        if len(current) >= currentComponents:
            k += 1
            idx.append(np.array(current, dtype=np.int64))
            current = []
            currentComponents = num_components
            if size_in % size_out > k:
                currentComponents += 1
    if current:
        idx.append(np.array(current, dtype=np.int64))
    return idx


_INDICES = _build_indices(SIZE_IN, SIZE_OUT)


def setup_inputs(seed: int = 0) -> dict:
    key = jax.random.key(seed)
    x = jax.random.normal(key, (100000, SIZE_IN), dtype=jnp.float32)
    return {"x": x}


def reference(x) -> jnp.ndarray:
    outs = []
    for ix in _INDICES:
        gathered = jnp.take(x, jnp.asarray(ix), axis=1)
        outs.append(gathered.sum(axis=1).reshape(-1, 1))
    return jnp.concatenate(outs, axis=1)

if __name__ == "__main__":
    import jax
    _d = setup_inputs()
    print(jax.jit(kernel)(*tuple(_d.values())))

</pallas_src>

<mosaic_0001>
#map = affine_map<(d0, d1) -> (0, 0)>
module attributes {stable_mosaic.version = 14 : i64} {
  func.func @_sc_seg_sum(%arg0: i32, %arg1: i32, %arg2: memref<100000x512xf32, #tpu.memory_space<hbm>>, %arg3: memref<15000x128xf32, #tpu.memory_space<hbm>>, %arg4: memref<24x512xf32, #tpu.memory_space<vmem>>, %arg5: memref<24x512xf32, #tpu.memory_space<vmem>>, %arg6: memref<24x128xf32, #tpu.memory_space<vmem>>, %arg7: memref<24x128xf32, #tpu.memory_space<vmem>>, %arg8: memref<!tpu.dma_semaphore, #tpu.memory_space<semaphore_mem>>, %arg9: memref<!tpu.dma_semaphore, #tpu.memory_space<semaphore_mem>>, %arg10: memref<!tpu.dma_semaphore, #tpu.memory_space<semaphore_mem>>, %arg11: memref<!tpu.dma_semaphore, #tpu.memory_space<semaphore_mem>>) attributes {dimension_semantics = [#tpu.dimension_semantics<core_parallel>, #tpu.dimension_semantics<subcore_parallel>], iteration_bounds = array<i64: 2, 16>, scalar_prefetch = 0 : i64, scratch_operands = 8 : i64, tpu.core_type = #tpu.core_type<sc_vector_subcore>, window_params = [{transform_indices = #map}, {transform_indices = #map}]} {
    %mul3A = arith.constant 2 : i32
    %mul3A_0 = arith.muli %arg1, %mul3A : i32
    %add3A = arith.addi %mul3A_0, %arg0 : i32
    %mul3A_1 = arith.constant 58 : i32
    %mul3A_2 = arith.muli %mul3A_1, %add3A : i32
    %min3A = arith.constant 19 : i32
    %min3A_3 = arith.minsi %add3A, %min3A : i32
    %add3A_4 = arith.addi %mul3A_2, %min3A_3 : i32
    %mul3A_5 = arith.constant 8 : i32
    %mul3A_6 = arith.muli %add3A_4, %mul3A_5 : i32
    %add3A_7 = arith.constant 85000 : i32
    %add3A_8 = arith.addi %add3A_7, %mul3A_6 : i32
    %mul3A_9 = arith.constant 8 : i32
    %mul3A_10 = arith.muli %add3A_4, %mul3A_9 : i32
    %lt3A = arith.constant 19 : i32
    %lt3A_11 = arith.cmpi slt, %add3A, %lt3A : i32
    %iota3A = tpu.iota {dimensions = array<i32: 0>} : vector<16xi32>
    %shift_right_logical3A = arith.constant 2 : i32
    %shift_right_logical3A_12 = vector.broadcast %shift_right_logical3A : i32 to vector<16xi32>
    %shift_right_logical3A_13 = arith.shrui %iota3A, %shift_right_logical3A_12 : vector<16xi32>
    %mul3A_14 = arith.constant 4 : i32
    %mul3A_15 = vector.broadcast %mul3A_14 : i32 to vector<16xi32>
    %mul3A_16 = arith.muli %iota3A, %mul3A_15 : vector<16xi32>
    %add3A_17 = arith.constant 0 : i32
    %add3A_18 = vector.broadcast %add3A_17 : i32 to vector<16xi32>
    %add3A_19 = arith.addi %shift_right_logical3A_13, %add3A_18 : vector<16xi32>
    %and3A = arith.constant 3 : i32
    %and3A_20 = vector.broadcast %and3A : i32 to vector<16xi32>
    %and3A_21 = arith.andi %add3A_19, %and3A_20 : vector<16xi32>
    %add3A_22 = arith.addi %mul3A_16, %and3A_21 : vector<16xi32>
    %mul3A_23 = arith.constant 4 : i32
    %mul3A_24 = vector.broadcast %mul3A_23 : i32 to vector<16xi32>
    %mul3A_25 = arith.muli %iota3A, %mul3A_24 : vector<16xi32>
    %add3A_26 = arith.constant 1 : i32
    %add3A_27 = vector.broadcast %add3A_26 : i32 to vector<16xi32>
    %add3A_28 = arith.addi %shift_right_logical3A_13, %add3A_27 : vector<16xi32>
    %and3A_29 = arith.constant 3 : i32
    %and3A_30 = vector.broadcast %and3A_29 : i32 to vector<16xi32>
    %and3A_31 = arith.andi %add3A_28, %and3A_30 : vector<16xi32>
    %add3A_32 = arith.addi %mul3A_25, %and3A_31 : vector<16xi32>
    %mul3A_33 = arith.constant 4 : i32
    %mul3A_34 = vector.broadcast %mul3A_33 : i32 to vector<16xi32>
    %mul3A_35 = arith.muli %iota3A, %mul3A_34 : vector<16xi32>
    %add3A_36 = arith.constant 2 : i32
    %add3A_37 = vector.broadcast %add3A_36 : i32 to vector<16xi32>
    %add3A_38 = arith.addi %shift_right_logical3A_13, %add3A_37 : vector<16xi32>
    %and3A_39 = arith.constant 3 : i32
    %and3A_40 = vector.broadcast %and3A_39 : i32 to vector<16xi32>
    %and3A_41 = arith.andi %add3A_38, %and3A_40 : vector<16xi32>
    %add3A_42 = arith.addi %mul3A_35, %and3A_41 : vector<16xi32>
    %mul3A_43 = arith.constant 4 : i32
    %mul3A_44 = vector.broadcast %mul3A_43 : i32 to vector<16xi32>
    %mul3A_45 = arith.muli %iota3A, %mul3A_44 : vector<16xi32>
    %add3A_46 = arith.constant 3 : i32
    %add3A_47 = vector.broadcast %add3A_46 : i32 to vector<16xi32>
    %add3A_48 = arith.addi %shift_right_logical3A_13, %add3A_47 : vector<16xi32>
    %and3A_49 = arith.constant 3 : i32
    %and3A_50 = vector.broadcast %and3A_49 : i32 to vector<16xi32>
    %and3A_51 = arith.andi %add3A_48, %and3A_50 : vector<16xi32>
    %add3A_52 = arith.addi %mul3A_45, %and3A_51 : vector<16xi32>
    %add3A_53 = arith.constant 0 : i32
    %add3A_54 = arith.addi %add3A_8, %add3A_53 : i32
    %dma_start3A = arith.constant 0 : i32
    %dma_start3A_55 = tpu.memref_slice %arg2[%add3A_54, %dma_start3A] : memref<100000x512xf32, #tpu.memory_space<hbm>> -> memref<24x512xf32, #tpu.memory_space<hbm>>
    %dma_start3A_56 = arith.constant 0 : i32
    %dma_start3A_57 = tpu.memref_slice %arg2[%add3A_54, %dma_start3A_56] : memref<100000x512xf32, #tpu.memory_space<hbm>> -> memref<24x512xf32, #tpu.memory_space<hbm>>
    tpu.enqueue_dma source(%dma_start3A_57 : memref<24x512xf32, #tpu.memory_space<hbm>>) target(%arg4 : memref<24x512xf32, #tpu.memory_space<vmem>>) target_semaphore(%arg8 : memref<!tpu.dma_semaphore, #tpu.memory_space<semaphore_mem>>)
    %add3A_58 = arith.constant 24 : i32
    %add3A_59 = arith.addi %add3A_8, %add3A_58 : i32
    %dma_start3A_60 = arith.constant 0 : i32
    %dma_start3A_61 = tpu.memref_slice %arg2[%add3A_59, %dma_start3A_60] : memref<100000x512xf32, #tpu.memory_space<hbm>> -> memref<24x512xf32, #tpu.memory_space<hbm>>
    %dma_start3A_62 = arith.constant 0 : i32
    %dma_start3A_63 = tpu.memref_slice %arg2[%add3A_59, %dma_start3A_62] : memref<100000x512xf32, #tpu.memory_space<hbm>> -> memref<24x512xf32, #tpu.memory_space<hbm>>
    tpu.enqueue_dma source(%dma_start3A_63 : memref<24x512xf32, #tpu.memory_space<hbm>>) target(%arg5 : memref<24x512xf32, #tpu.memory_space<vmem>>) target_semaphore(%arg9 : memref<!tpu.dma_semaphore, #tpu.memory_space<semaphore_mem>>)
    %scan3A = arith.constant 0 : i32
    %scan3A_64 = arith.constant 0 : i32
    %scan3A_65 = arith.constant 9 : i32
    %scan3A_66 = arith.addi %scan3A_64, %scan3A_65 : i32
    %scan3A_67 = arith.constant 1 : i32
    scf.for %scan3A_110 = %scan3A_64 to %scan3A_66 step %scan3A_67  : i32 {
      %mul3A_111 = arith.constant 2 : i32
      %mul3A_112 = arith.muli %mul3A_111, %scan3A_110 : i32
      %add3A_113 = arith.constant 0 : i32
      %add3A_114 = arith.addi %mul3A_112, %add3A_113 : i32
      %ge3A = arith.constant 2 : i32
      %ge3A_115 = arith.cmpi sge, %add3A_114, %ge3A : i32
      %convert_element_type3A_116 = arith.extui %ge3A_115 : i1 to i32
      %cond3A_117 = arith.constant 0 : i32
      %cond3A_118 = arith.cmpi ne, %convert_element_type3A_116, %cond3A_117 : i32
      scf.if %cond3A_118 {
        %sub3A = arith.constant 2 : i32
        %sub3A_176 = arith.subi %add3A_114, %sub3A : i32
        %mul3A_177 = arith.constant 24 : i32
        %mul3A_178 = arith.muli %sub3A_176, %mul3A_177 : i32
        %add3A_179 = arith.addi %mul3A_10, %mul3A_178 : i32
        %dma_wait3A_180 = arith.constant 0 : i32
        %dma_wait3A_181 = tpu.memref_slice %arg3[%add3A_179, %dma_wait3A_180] : memref<15000x128xf32, #tpu.memory_space<hbm>> -> memref<24x128xf32, #tpu.memory_space<hbm>>
        %dma_wait3A_182 = arith.constant 0 : i32
        %dma_wait3A_183 = tpu.memref_slice %arg3[%add3A_179, %dma_wait3A_182] : memref<15000x128xf32, #tpu.memory_space<hbm>> -> memref<24x128xf32, #tpu.memory_space<hbm>>
        tpu.wait_dma2 semaphore(%arg10 : memref<!tpu.dma_semaphore, #tpu.memory_space<semaphore_mem>>) src(%arg6 : memref<24x128xf32, #tpu.memory_space<vmem>>) dst(%dma_wait3A_183 : memref<24x128xf32, #tpu.memory_space<hbm>>)
      } else {
      }
      %mul3A_119 = arith.constant 24 : i32
      %mul3A_120 = arith.muli %add3A_114, %mul3A_119 : i32
      %add3A_121 = arith.addi %add3A_8, %mul3A_120 : i32
      %dma_wait3A_122 = arith.constant 0 : i32
      %dma_wait3A_123 = tpu.memref_slice %arg2[%add3A_121, %dma_wait3A_122] : memref<100000x512xf32, #tpu.memory_space<hbm>> -> memref<24x512xf32, #tpu.memory_space<hbm>>
      %dma_wait3A_124 = arith.constant 0 : i32
      %dma_wait3A_125 = tpu.memref_slice %arg2[%add3A_121, %dma_wait3A_124] : memref<100000x512xf32, #tpu.memory_space<hbm>> -> memref<24x512xf32, #tpu.memory_space<hbm>>
      tpu.wait_dma2 semaphore(%arg8 : memref<!tpu.dma_semaphore, #tpu.memory_space<semaphore_mem>>) src(%dma_wait3A_125 : memref<24x512xf32, #tpu.memory_space<hbm>>) dst(%arg4 : memref<24x512xf32, #tpu.memory_space<vmem>>)
      %parallel_loop3A_126 = arith.constant 0 : i32
      %parallel_loop3A_127 = arith.constant 192 : i32
      %parallel_loop3A_128 = arith.constant 1 : i32
      scf.for %parallel_loop3A_176 = %parallel_loop3A_126 to %parallel_loop3A_127 step %parallel_loop3A_128  : i32 {
        %parallel_loop3A_177 = arith.constant 3 : i32
        %parallel_loop3A_178 = arith.shrsi %parallel_loop3A_176, %parallel_loop3A_177 : i32
        %parallel_loop3A_179 = arith.constant 7 : i32
        %parallel_loop3A_180 = arith.andi %parallel_loop3A_176, %parallel_loop3A_179 : i32
        %parallel_loop3A_181 = vector.broadcast %parallel_loop3A_178 : i32 to vector<16xi32>
        %parallel_loop3A_182 = arith.constant 64 : i32
        %parallel_loop3A_183 = arith.muli %parallel_loop3A_180, %parallel_loop3A_182 : i32
        %parallel_loop3A_184 = vector.broadcast %parallel_loop3A_183 : i32 to vector<16xi32>
        %parallel_loop3A_185 = arith.addi %add3A_22, %parallel_loop3A_184 : vector<16xi32>
        %parallel_loop3A_186 = tpu.vector_load_idx %arg4[%parallel_loop3A_181, %parallel_loop3A_185] : memref<24x512xf32, #tpu.memory_space<vmem>>[vector<16xi32>, vector<16xi32>], vector<16xf32>,
        %parallel_loop3A_187 = vector.broadcast %parallel_loop3A_183 : i32 to vector<16xi32>
        %parallel_loop3A_188 = arith.addi %add3A_32, %parallel_loop3A_187 : vector<16xi32>
        %parallel_loop3A_189 = tpu.vector_load_idx %arg4[%parallel_loop3A_181, %parallel_loop3A_188] : memref<24x512xf32, #tpu.memory_space<vmem>>[vector<16xi32>, vector<16xi32>], vector<16xf32>,
        %parallel_loop3A_190 = arith.addf %parallel_loop3A_186, %parallel_loop3A_189 : vector<16xf32>
        %parallel_loop3A_191 = vector.broadcast %parallel_loop3A_183 : i32 to vector<16xi32>
        %parallel_loop3A_192 = arith.addi %add3A_42, %parallel_loop3A_191 : vector<16xi32>
        %parallel_loop3A_193 = tpu.vector_load_idx %arg4[%parallel_loop3A_181, %parallel_loop3A_192] : memref<24x512xf32, #tpu.memory_space<vmem>>[vector<16xi32>, vector<16xi32>], vector<16xf32>,
        %parallel_loop3A_194 = arith.addf %parallel_loop3A_190, %parallel_loop3A_193 : vector<16xf32>
        %parallel_loop3A_195 = vector.broadcast %parallel_loop3A_183 : i32 to vector<16xi32>
        %parallel_loop3A_196 = arith.addi %add3A_52, %parallel_loop3A_195 : vector<16xi32>
        %parallel_loop3A_197 = tpu.vector_load_idx %arg4[%parallel_loop3A_181, %parallel_loop3A_196] : memref<24x512xf32, #tpu.memory_space<vmem>>[vector<16xi32>, vector<16xi32>], vector<16xf32>,
        %parallel_loop3A_198 = arith.addf %parallel_loop3A_194, %parallel_loop3A_197 : vector<16xf32>
        %parallel_loop3A_199 = arith.constant 16 : i32
        %parallel_loop3A_200 = arith.muli %parallel_loop3A_180, %parallel_loop3A_199 : i32
        %parallel_loop3A_201 = arith.index_cast %parallel_loop3A_178 : i32 to index
        %parallel_loop3A_202 = arith.index_cast %parallel_loop3A_200 : i32 to index
        %parallel_loop3A_203 = tpu.vector_load %arg6[%parallel_loop3A_201, %parallel_loop3A_202] {strides = array<i32>} : memref<24x128xf32, #tpu.memory_space<vmem>>, vector<16xf32>,
        tpu.vector_store %arg6[%parallel_loop3A_201, %parallel_loop3A_202], %parallel_loop3A_198 {strides = array<i32>} : memref<24x128xf32, #tpu.memory_space<vmem>>, vector<16xf32>,
      } {sc.loop_unroll_factor = 8 : i64, sc.parallel_access}
      %mul3A_129 = arith.constant 24 : i32
      %mul3A_130 = arith.muli %add3A_114, %mul3A_129 : i32
      %add3A_131 = arith.addi %mul3A_10, %mul3A_130 : i32
      %dma_start3A_132 = arith.constant 0 : i32
      %dma_start3A_133 = tpu.memref_slice %arg3[%add3A_131, %dma_start3A_132] : memref<15000x128xf32, #tpu.memory_space<hbm>> -> memref<24x128xf32, #tpu.memory_space<hbm>>
      %dma_start3A_134 = arith.constant 0 : i32
      %dma_start3A_135 = tpu.memref_slice %arg3[%add3A_131, %dma_start3A_134] : memref<15000x128xf32, #tpu.memory_space<hbm>> -> memref<24x128xf32, #tpu.memory_space<hbm>>
      tpu.enqueue_dma source(%arg6 : memref<24x128xf32, #tpu.memory_space<vmem>>) target(%dma_start3A_135 : memref<24x128xf32, #tpu.memory_space<hbm>>) target_semaphore(%arg10 : memref<!tpu.dma_semaphore, #tpu.memory_space<semaphore_mem>>)
      %add3A_136 = arith.constant 2 : i32
      %add3A_137 = arith.addi %add3A_114, %add3A_136 : i32
      %lt3A_138 = arith.constant 19 : i32
      %lt3A_139 = arith.cmpi slt, %add3A_137, %lt3A_138 : i32
      %convert_element_type3A_140 = arith.extui %lt3A_139 : i1 to i32
      %cond3A_141 = arith.constant 0 : i32
      %cond3A_142 = arith.cmpi ne, %convert_element_type3A_140, %cond3A_141 : i32
      scf.if %cond3A_142 {
        %add3A_176 = arith.constant 2 : i32
        %add3A_177 = arith.addi %add3A_114, %add3A_176 : i32
        %mul3A_178 = arith.constant 24 : i32
        %mul3A_179 = arith.muli %add3A_177, %mul3A_178 : i32
        %add3A_180 = arith.addi %add3A_8, %mul3A_179 : i32
        %dma_start3A_181 = arith.constant 0 : i32
        %dma_start3A_182 = tpu.memref_slice %arg2[%add3A_180, %dma_start3A_181] : memref<100000x512xf32, #tpu.memory_space<hbm>> -> memref<24x512xf32, #tpu.memory_space<hbm>>
        %dma_start3A_183 = arith.constant 0 : i32
        %dma_start3A_184 = tpu.memref_slice %arg2[%add3A_180, %dma_start3A_183] : memref<100000x512xf32, #tpu.memory_space<hbm>> -> memref<24x512xf32, #tpu.memory_space<hbm>>
        tpu.enqueue_dma source(%dma_start3A_184 : memref<24x512xf32, #tpu.memory_space<hbm>>) target(%arg4 : memref<24x512xf32, #tpu.memory_space<vmem>>) target_semaphore(%arg8 : memref<!tpu.dma_semaphore, #tpu.memory_space<semaphore_mem>>)
      } else {
      }
      %mul3A_143 = arith.constant 2 : i32
      %mul3A_144 = arith.muli %mul3A_143, %scan3A_110 : i32
      %add3A_145 = arith.constant 1 : i32
      %add3A_146 = arith.addi %mul3A_144, %add3A_145 : i32
      %ge3A_147 = arith.constant 2 : i32
      %ge3A_148 = arith.cmpi sge, %add3A_146, %ge3A_147 : i32
      %convert_element_type3A_149 = arith.extui %ge3A_148 : i1 to i32
      %cond3A_150 = arith.constant 0 : i32
      %cond3A_151 = arith.cmpi ne, %convert_element_type3A_149, %cond3A_150 : i32
      scf.if %cond3A_151 {
        %sub3A = arith.constant 2 : i32
        %sub3A_176 = arith.subi %add3A_146, %sub3A : i32
        %mul3A_177 = arith.constant 24 : i32
        %mul3A_178 = arith.muli %sub3A_176, %mul3A_177 : i32
        %add3A_179 = arith.addi %mul3A_10, %mul3A_178 : i32
        %dma_wait3A_180 = arith.constant 0 : i32
        %dma_wait3A_181 = tpu.memref_slice %arg3[%add3A_179, %dma_wait3A_180] : memref<15000x128xf32, #tpu.memory_space<hbm>> -> memref<24x128xf32, #tpu.memory_space<hbm>>
        %dma_wait3A_182 = arith.constant 0 : i32
        %dma_wait3A_183 = tpu.memref_slice %arg3[%add3A_179, %dma_wait3A_182] : memref<15000x128xf32, #tpu.memory_space<hbm>> -> memref<24x128xf32, #tpu.memory_space<hbm>>
        tpu.wait_dma2 semaphore(%arg11 : memref<!tpu.dma_semaphore, #tpu.memory_space<semaphore_mem>>) src(%arg7 : memref<24x128xf32, #tpu.memory_space<vmem>>) dst(%dma_wait3A_183 : memref<24x128xf32, #tpu.memory_space<hbm>>)
      } else {
      }
      %mul3A_152 = arith.constant 24 : i32
      %mul3A_153 = arith.muli %add3A_146, %mul3A_152 : i32
      %add3A_154 = arith.addi %add3A_8, %mul3A_153 : i32
      %dma_wait3A_155 = arith.constant 0 : i32
      %dma_wait3A_156 = tpu.memref_slice %arg2[%add3A_154, %dma_wait3A_155] : memref<100000x512xf32, #tpu.memory_space<hbm>> -> memref<24x512xf32, #tpu.memory_space<hbm>>
      %dma_wait3A_157 = arith.constant 0 : i32
      %dma_wait3A_158 = tpu.memref_slice %arg2[%add3A_154, %dma_wait3A_157] : memref<100000x512xf32, #tpu.memory_space<hbm>> -> memref<24x512xf32, #tpu.memory_space<hbm>>
      tpu.wait_dma2 semaphore(%arg9 : memref<!tpu.dma_semaphore, #tpu.memory_space<semaphore_mem>>) src(%dma_wait3A_158 : memref<24x512xf32, #tpu.memory_space<hbm>>) dst(%arg5 : memref<24x512xf32, #tpu.memory_space<vmem>>)
      %parallel_loop3A_159 = arith.constant 0 : i32
      %parallel_loop3A_160 = arith.constant 192 : i32
      %parallel_loop3A_161 = arith.constant 1 : i32
      scf.for %parallel_loop3A_176 = %parallel_loop3A_159 to %parallel_loop3A_160 step %parallel_loop3A_161  : i32 {
        %parallel_loop3A_177 = arith.constant 3 : i32
        %parallel_loop3A_178 = arith.shrsi %parallel_loop3A_176, %parallel_loop3A_177 : i32
        %parallel_loop3A_179 = arith.constant 7 : i32
        %parallel_loop3A_180 = arith.andi %parallel_loop3A_176, %parallel_loop3A_179 : i32
        %parallel_loop3A_181 = vector.broadcast %parallel_loop3A_178 : i32 to vector<16xi32>
        %parallel_loop3A_182 = arith.constant 64 : i32
        %parallel_loop3A_183 = arith.muli %parallel_loop3A_180, %parallel_loop3A_182 : i32
        %parallel_loop3A_184 = vector.broadcast %parallel_loop3A_183 : i32 to vector<16xi32>
        %parallel_loop3A_185 = arith.addi %add3A_22, %parallel_loop3A_184 : vector<16xi32>
        %parallel_loop3A_186 = tpu.vector_load_idx %arg5[%parallel_loop3A_181, %parallel_loop3A_185] : memref<24x512xf32, #tpu.memory_space<vmem>>[vector<16xi32>, vector<16xi32>], vector<16xf32>,
        %parallel_loop3A_187 = vector.broadcast %parallel_loop3A_183 : i32 to vector<16xi32>
        %parallel_loop3A_188 = arith.addi %add3A_32, %parallel_loop3A_187 : vector<16xi32>
        %parallel_loop3A_189 = tpu.vector_load_idx %arg5[%parallel_loop3A_181, %parallel_loop3A_188] : memref<24x512xf32, #tpu.memory_space<vmem>>[vector<16xi32>, vector<16xi32>], vector<16xf32>,
        %parallel_loop3A_190 = arith.addf %parallel_loop3A_186, %parallel_loop3A_189 : vector<16xf32>
        %parallel_loop3A_191 = vector.broadcast %parallel_loop3A_183 : i32 to vector<16xi32>
        %parallel_loop3A_192 = arith.addi %add3A_42, %parallel_loop3A_191 : vector<16xi32>
        %parallel_loop3A_193 = tpu.vector_load_idx %arg5[%parallel_loop3A_181, %parallel_loop3A_192] : memref<24x512xf32, #tpu.memory_space<vmem>>[vector<16xi32>, vector<16xi32>], vector<16xf32>,
        %parallel_loop3A_194 = arith.addf %parallel_loop3A_190, %parallel_loop3A_193 : vector<16xf32>
        %parallel_loop3A_195 = vector.broadcast %parallel_loop3A_183 : i32 to vector<16xi32>
        %parallel_loop3A_196 = arith.addi %add3A_52, %parallel_loop3A_195 : vector<16xi32>
        %parallel_loop3A_197 = tpu.vector_load_idx %arg5[%parallel_loop3A_181, %parallel_loop3A_196] : memref<24x512xf32, #tpu.memory_space<vmem>>[vector<16xi32>, vector<16xi32>], vector<16xf32>,
        %parallel_loop3A_198 = arith.addf %parallel_loop3A_194, %parallel_loop3A_197 : vector<16xf32>
        %parallel_loop3A_199 = arith.constant 16 : i32
        %parallel_loop3A_200 = arith.muli %parallel_loop3A_180, %parallel_loop3A_199 : i32
        %parallel_loop3A_201 = arith.index_cast %parallel_loop3A_178 : i32 to index
        %parallel_loop3A_202 = arith.index_cast %parallel_loop3A_200 : i32 to index
        %parallel_loop3A_203 = tpu.vector_load %arg7[%parallel_loop3A_201, %parallel_loop3A_202] {strides = array<i32>} : memref<24x128xf32, #tpu.memory_space<vmem>>, vector<16xf32>,
        tpu.vector_store %arg7[%parallel_loop3A_201, %parallel_loop3A_202], %parallel_loop3A_198 {strides = array<i32>} : memref<24x128xf32, #tpu.memory_space<vmem>>, vector<16xf32>,
      } {sc.loop_unroll_factor = 8 : i64, sc.parallel_access}
      %mul3A_162 = arith.constant 24 : i32
      %mul3A_163 = arith.muli %add3A_146, %mul3A_162 : i32
      %add3A_164 = arith.addi %mul3A_10, %mul3A_163 : i32
      %dma_start3A_165 = arith.constant 0 : i32
      %dma_start3A_166 = tpu.memref_slice %arg3[%add3A_164, %dma_start3A_165] : memref<15000x128xf32, #tpu.memory_space<hbm>> -> memref<24x128xf32, #tpu.memory_space<hbm>>
      %dma_start3A_167 = arith.constant 0 : i32
      %dma_start3A_168 = tpu.memref_slice %arg3[%add3A_164, %dma_start3A_167] : memref<15000x128xf32, #tpu.memory_space<hbm>> -> memref<24x128xf32, #tpu.memory_space<hbm>>
      tpu.enqueue_dma source(%arg7 : memref<24x128xf32, #tpu.memory_space<vmem>>) target(%dma_start3A_168 : memref<24x128xf32, #tpu.memory_space<hbm>>) target_semaphore(%arg11 : memref<!tpu.dma_semaphore, #tpu.memory_space<semaphore_mem>>)
      %add3A_169 = arith.constant 2 : i32
      %add3A_170 = arith.addi %add3A_146, %add3A_169 : i32
      %lt3A_171 = arith.constant 19 : i32
      %lt3A_172 = arith.cmpi slt, %add3A_170, %lt3A_171 : i32
      %convert_element_type3A_173 = arith.extui %lt3A_172 : i1 to i32
      %cond3A_174 = arith.constant 0 : i32
      %cond3A_175 = arith.cmpi ne, %convert_element_type3A_173, %cond3A_174 : i32
      scf.if %cond3A_175 {
        %add3A_176 = arith.constant 2 : i32
        %add3A_177 = arith.addi %add3A_146, %add3A_176 : i32
        %mul3A_178 = arith.constant 24 : i32
        %mul3A_179 = arith.muli %add3A_177, %mul3A_178 : i32
        %add3A_180 = arith.addi %add3A_8, %mul3A_179 : i32
        %dma_start3A_181 = arith.constant 0 : i32
        %dma_start3A_182 = tpu.memref_slice %arg2[%add3A_180, %dma_start3A_181] : memref<100000x512xf32, #tpu.memory_space<hbm>> -> memref<24x512xf32, #tpu.memory_space<hbm>>
        %dma_start3A_183 = arith.constant 0 : i32
        %dma_start3A_184 = tpu.memref_slice %arg2[%add3A_180, %dma_start3A_183] : memref<100000x512xf32, #tpu.memory_space<hbm>> -> memref<24x512xf32, #tpu.memory_space<hbm>>
        tpu.enqueue_dma source(%dma_start3A_184 : memref<24x512xf32, #tpu.memory_space<hbm>>) target(%arg5 : memref<24x512xf32, #tpu.memory_space<vmem>>) target_semaphore(%arg9 : memref<!tpu.dma_semaphore, #tpu.memory_space<semaphore_mem>>)
      } else {
      }
    }
    %scan3A_68 = arith.constant 9 : i32
    %add3A_69 = arith.constant 384 : i32
    %add3A_70 = arith.addi %mul3A_10, %add3A_69 : i32
    %dma_wait3A = arith.constant 0 : i32
    %dma_wait3A_71 = tpu.memref_slice %arg3[%add3A_70, %dma_wait3A] : memref<15000x128xf32, #tpu.memory_space<hbm>> -> memref<24x128xf32, #tpu.memory_space<hbm>>
    %dma_wait3A_72 = arith.constant 0 : i32
    %dma_wait3A_73 = tpu.memref_slice %arg3[%add3A_70, %dma_wait3A_72] : memref<15000x128xf32, #tpu.memory_space<hbm>> -> memref<24x128xf32, #tpu.memory_space<hbm>>
    tpu.wait_dma2 semaphore(%arg10 : memref<!tpu.dma_semaphore, #tpu.memory_space<semaphore_mem>>) src(%arg6 : memref<24x128xf32, #tpu.memory_space<vmem>>) dst(%dma_wait3A_73 : memref<24x128xf32, #tpu.memory_space<hbm>>)
    %add3A_74 = arith.constant 432 : i32
    %add3A_75 = arith.addi %add3A_8, %add3A_74 : i32
    %dma_wait3A_76 = arith.constant 0 : i32
    %dma_wait3A_77 = tpu.memref_slice %arg2[%add3A_75, %dma_wait3A_76] : memref<100000x512xf32, #tpu.memory_space<hbm>> -> memref<24x512xf32, #tpu.memory_space<hbm>>
    %dma_wait3A_78 = arith.constant 0 : i32
    %dma_wait3A_79 = tpu.memref_slice %arg2[%add3A_75, %dma_wait3A_78] : memref<100000x512xf32, #tpu.memory_space<hbm>> -> memref<24x512xf32, #tpu.memory_space<hbm>>
    tpu.wait_dma2 semaphore(%arg8 : memref<!tpu.dma_semaphore, #tpu.memory_space<semaphore_mem>>) src(%dma_wait3A_79 : memref<24x512xf32, #tpu.memory_space<hbm>>) dst(%arg4 : memref<24x512xf32, #tpu.memory_space<vmem>>)
    %parallel_loop3A = arith.constant 0 : i32
    %parallel_loop3A_80 = arith.constant 192 : i32
    %parallel_loop3A_81 = arith.constant 1 : i32
    scf.for %parallel_loop3A_110 = %parallel_loop3A to %parallel_loop3A_80 step %parallel_loop3A_81  : i32 {
      %parallel_loop3A_111 = arith.constant 3 : i32
      %parallel_loop3A_112 = arith.shrsi %parallel_loop3A_110, %parallel_loop3A_111 : i32
      %parallel_loop3A_113 = arith.constant 7 : i32
      %parallel_loop3A_114 = arith.andi %parallel_loop3A_110, %parallel_loop3A_113 : i32
      %parallel_loop3A_115 = vector.broadcast %parallel_loop3A_112 : i32 to vector<16xi32>
      %parallel_loop3A_116 = arith.constant 64 : i32
      %parallel_loop3A_117 = arith.muli %parallel_loop3A_114, %parallel_loop3A_116 : i32
      %parallel_loop3A_118 = vector.broadcast %parallel_loop3A_117 : i32 to vector<16xi32>
      %parallel_loop3A_119 = arith.addi %add3A_22, %parallel_loop3A_118 : vector<16xi32>
      %parallel_loop3A_120 = tpu.vector_load_idx %arg4[%parallel_loop3A_115, %parallel_loop3A_119] : memref<24x512xf32, #tpu.memory_space<vmem>>[vector<16xi32>, vector<16xi32>], vector<16xf32>,
      %parallel_loop3A_121 = vector.broadcast %parallel_loop3A_117 : i32 to vector<16xi32>
      %parallel_loop3A_122 = arith.addi %add3A_32, %parallel_loop3A_121 : vector<16xi32>
      %parallel_loop3A_123 = tpu.vector_load_idx %arg4[%parallel_loop3A_115, %parallel_loop3A_122] : memref<24x512xf32, #tpu.memory_space<vmem>>[vector<16xi32>, vector<16xi32>], vector<16xf32>,
      %parallel_loop3A_124 = arith.addf %parallel_loop3A_120, %parallel_loop3A_123 : vector<16xf32>
      %parallel_loop3A_125 = vector.broadcast %parallel_loop3A_117 : i32 to vector<16xi32>
      %parallel_loop3A_126 = arith.addi %add3A_42, %parallel_loop3A_125 : vector<16xi32>
      %parallel_loop3A_127 = tpu.vector_load_idx %arg4[%parallel_loop3A_115, %parallel_loop3A_126] : memref<24x512xf32, #tpu.memory_space<vmem>>[vector<16xi32>, vector<16xi32>], vector<16xf32>,
      %parallel_loop3A_128 = arith.addf %parallel_loop3A_124, %parallel_loop3A_127 : vector<16xf32>
      %parallel_loop3A_129 = vector.broadcast %parallel_loop3A_117 : i32 to vector<16xi32>
      %parallel_loop3A_130 = arith.addi %add3A_52, %parallel_loop3A_129 : vector<16xi32>
      %parallel_loop3A_131 = tpu.vector_load_idx %arg4[%parallel_loop3A_115, %parallel_loop3A_130] : memref<24x512xf32, #tpu.memory_space<vmem>>[vector<16xi32>, vector<16xi32>], vector<16xf32>,
      %parallel_loop3A_132 = arith.addf %parallel_loop3A_128, %parallel_loop3A_131 : vector<16xf32>
      %parallel_loop3A_133 = arith.constant 16 : i32
      %parallel_loop3A_134 = arith.muli %parallel_loop3A_114, %parallel_loop3A_133 : i32
      %parallel_loop3A_135 = arith.index_cast %parallel_loop3A_112 : i32 to index
      %parallel_loop3A_136 = arith.index_cast %parallel_loop3A_134 : i32 to index
      %parallel_loop3A_137 = tpu.vector_load %arg6[%parallel_loop3A_135, %parallel_loop3A_136] {strides = array<i32>} : memref<24x128xf32, #tpu.memory_space<vmem>>, vector<16xf32>,
      tpu.vector_store %arg6[%parallel_loop3A_135, %parallel_loop3A_136], %parallel_loop3A_132 {strides = array<i32>} : memref<24x128xf32, #tpu.memory_space<vmem>>, vector<16xf32>,
    } {sc.loop_unroll_factor = 8 : i64, sc.parallel_access}
    %add3A_82 = arith.constant 432 : i32
    %add3A_83 = arith.addi %mul3A_10, %add3A_82 : i32
    %dma_start3A_84 = arith.constant 0 : i32
    %dma_start3A_85 = tpu.memref_slice %arg3[%add3A_83, %dma_start3A_84] : memref<15000x128xf32, #tpu.memory_space<hbm>> -> memref<24x128xf32, #tpu.memory_space<hbm>>
    %dma_start3A_86 = arith.constant 0 : i32
    %dma_start3A_87 = tpu.memref_slice %arg3[%add3A_83, %dma_start3A_86] : memref<15000x128xf32, #tpu.memory_space<hbm>> -> memref<24x128xf32, #tpu.memory_space<hbm>>
    tpu.enqueue_dma source(%arg6 : memref<24x128xf32, #tpu.memory_space<vmem>>) target(%dma_start3A_87 : memref<24x128xf32, #tpu.memory_space<hbm>>) target_semaphore(%arg10 : memref<!tpu.dma_semaphore, #tpu.memory_space<semaphore_mem>>)
    %add3A_88 = arith.constant 432 : i32
    %add3A_89 = arith.addi %mul3A_10, %add3A_88 : i32
    %dma_wait3A_90 = arith.constant 0 : i32
    %dma_wait3A_91 = tpu.memref_slice %arg3[%add3A_89, %dma_wait3A_90] : memref<15000x128xf32, #tpu.memory_space<hbm>> -> memref<24x128xf32, #tpu.memory_space<hbm>>
    %dma_wait3A_92 = arith.constant 0 : i32
    %dma_wait3A_93 = tpu.memref_slice %arg3[%add3A_89, %dma_wait3A_92] : memref<15000x128xf32, #tpu.memory_space<hbm>> -> memref<24x128xf32, #tpu.memory_space<hbm>>
    tpu.wait_dma2 semaphore(%arg10 : memref<!tpu.dma_semaphore, #tpu.memory_space<semaphore_mem>>) src(%arg6 : memref<24x128xf32, #tpu.memory_space<vmem>>) dst(%dma_wait3A_93 : memref<24x128xf32, #tpu.memory_space<hbm>>)
    %jit3A = arith.constant 1 : i32
    %jit3A_94 = arith.constant 0 : i32
    %select_n3A = arith.select %lt3A_11, %jit3A, %jit3A_94 : i32
    %add3A_95 = arith.constant 1 : i32
    %add3A_96 = arith.addi %add3A_95, %select_n3A : i32
    %gt3A = arith.constant 0 : i32
    %gt3A_97 = arith.cmpi sgt, %add3A_96, %gt3A : i32
    %convert_element_type3A = arith.extui %gt3A_97 : i1 to i32
    %cond3A = arith.constant 0 : i32
    %cond3A_98 = arith.cmpi ne, %convert_element_type3A, %cond3A : i32
    scf.if %cond3A_98 {
      %add3A_110 = arith.constant 456 : i32
      %add3A_111 = arith.addi %add3A_8, %add3A_110 : i32
      %add3A_112 = arith.constant 0 : i32
      %add3A_113 = arith.addi %add3A_111, %add3A_112 : i32
      %add3A_114 = arith.constant 456 : i32
      %add3A_115 = arith.addi %mul3A_10, %add3A_114 : i32
      %add3A_116 = arith.constant 0 : i32
      %add3A_117 = arith.addi %add3A_115, %add3A_116 : i32
      %dma_start3A_118 = arith.constant 0 : i32
      %dma_start3A_119 = arith.constant 0 : i32
      %dma_start3A_120 = tpu.memref_slice %arg4[%dma_start3A_118, %dma_start3A_119] : memref<24x512xf32, #tpu.memory_space<vmem>> -> memref<8x512xf32, #tpu.memory_space<vmem>>
      %dma_start3A_121 = arith.constant 0 : i32
      %dma_start3A_122 = tpu.memref_slice %arg2[%add3A_113, %dma_start3A_121] : memref<100000x512xf32, #tpu.memory_space<hbm>> -> memref<8x512xf32, #tpu.memory_space<hbm>>
      %dma_start3A_123 = arith.constant 0 : i32
      %dma_start3A_124 = arith.constant 0 : i32
      %dma_start3A_125 = tpu.memref_slice %arg4[%dma_start3A_123, %dma_start3A_124] : memref<24x512xf32, #tpu.memory_space<vmem>> -> memref<8x512xf32, #tpu.memory_space<vmem>>
      %dma_start3A_126 = arith.constant 0 : i32
      %dma_start3A_127 = tpu.memref_slice %arg2[%add3A_113, %dma_start3A_126] : memref<100000x512xf32, #tpu.memory_space<hbm>> -> memref<8x512xf32, #tpu.memory_space<hbm>>
      tpu.enqueue_dma source(%dma_start3A_127 : memref<8x512xf32, #tpu.memory_space<hbm>>) target(%dma_start3A_125 : memref<8x512xf32, #tpu.memory_space<vmem>>) target_semaphore(%arg8 : memref<!tpu.dma_semaphore, #tpu.memory_space<semaphore_mem>>)
      %dma_wait3A_128 = arith.constant 0 : i32
      %dma_wait3A_129 = arith.constant 0 : i32
      %dma_wait3A_130 = tpu.memref_slice %arg4[%dma_wait3A_128, %dma_wait3A_129] : memref<24x512xf32, #tpu.memory_space<vmem>> -> memref<8x512xf32, #tpu.memory_space<vmem>>
      %dma_wait3A_131 = arith.constant 0 : i32
      %dma_wait3A_132 = tpu.memref_slice %arg2[%add3A_113, %dma_wait3A_131] : memref<100000x512xf32, #tpu.memory_space<hbm>> -> memref<8x512xf32, #tpu.memory_space<hbm>>
      %dma_wait3A_133 = arith.constant 0 : i32
      %dma_wait3A_134 = arith.constant 0 : i32
      %dma_wait3A_135 = tpu.memref_slice %arg4[%dma_wait3A_133, %dma_wait3A_134] : memref<24x512xf32, #tpu.memory_space<vmem>> -> memref<8x512xf32, #tpu.memory_space<vmem>>
      %dma_wait3A_136 = arith.constant 0 : i32
      %dma_wait3A_137 = tpu.memref_slice %arg2[%add3A_113, %dma_wait3A_136] : memref<100000x512xf32, #tpu.memory_space<hbm>> -> memref<8x512xf32, #tpu.memory_space<hbm>>
      tpu.wait_dma2 semaphore(%arg8 : memref<!tpu.dma_semaphore, #tpu.memory_space<semaphore_mem>>) src(%dma_wait3A_137 : memref<8x512xf32, #tpu.memory_space<hbm>>) dst(%dma_wait3A_135 : memref<8x512xf32, #tpu.memory_space<vmem>>)
      %parallel_loop3A_138 = arith.constant 0 : i32
      %parallel_loop3A_139 = arith.constant 64 : i32
      %parallel_loop3A_140 = arith.constant 1 : i32
      scf.for %parallel_loop3A_161 = %parallel_loop3A_138 to %parallel_loop3A_139 step %parallel_loop3A_140  : i32 {
        %parallel_loop3A_162 = arith.constant 3 : i32
        %parallel_loop3A_163 = arith.shrsi %parallel_loop3A_161, %parallel_loop3A_162 : i32
        %parallel_loop3A_164 = arith.constant 7 : i32
        %parallel_loop3A_165 = arith.andi %parallel_loop3A_161, %parallel_loop3A_164 : i32
        %parallel_loop3A_166 = vector.broadcast %parallel_loop3A_163 : i32 to vector<16xi32>
        %parallel_loop3A_167 = arith.constant 64 : i32
        %parallel_loop3A_168 = arith.muli %parallel_loop3A_165, %parallel_loop3A_167 : i32
        %parallel_loop3A_169 = vector.broadcast %parallel_loop3A_168 : i32 to vector<16xi32>
        %parallel_loop3A_170 = arith.addi %add3A_22, %parallel_loop3A_169 : vector<16xi32>
        %parallel_loop3A_171 = tpu.vector_load_idx %arg4[%parallel_loop3A_166, %parallel_loop3A_170] : memref<24x512xf32, #tpu.memory_space<vmem>>[vector<16xi32>, vector<16xi32>], vector<16xf32>,
        %parallel_loop3A_172 = vector.broadcast %parallel_loop3A_168 : i32 to vector<16xi32>
        %parallel_loop3A_173 = arith.addi %add3A_32, %parallel_loop3A_172 : vector<16xi32>
        %parallel_loop3A_174 = tpu.vector_load_idx %arg4[%parallel_loop3A_166, %parallel_loop3A_173] : memref<24x512xf32, #tpu.memory_space<vmem>>[vector<16xi32>, vector<16xi32>], vector<16xf32>,
        %parallel_loop3A_175 = arith.addf %parallel_loop3A_171, %parallel_loop3A_174 : vector<16xf32>
        %parallel_loop3A_176 = vector.broadcast %parallel_loop3A_168 : i32 to vector<16xi32>
        %parallel_loop3A_177 = arith.addi %add3A_42, %parallel_loop3A_176 : vector<16xi32>
        %parallel_loop3A_178 = tpu.vector_load_idx %arg4[%parallel_loop3A_166, %parallel_loop3A_177] : memref<24x512xf32, #tpu.memory_space<vmem>>[vector<16xi32>, vector<16xi32>], vector<16xf32>,
        %parallel_loop3A_179 = arith.addf %parallel_loop3A_175, %parallel_loop3A_178 : vector<16xf32>
        %parallel_loop3A_180 = vector.broadcast %parallel_loop3A_168 : i32 to vector<16xi32>
        %parallel_loop3A_181 = arith.addi %add3A_52, %parallel_loop3A_180 : vector<16xi32>
        %parallel_loop3A_182 = tpu.vector_load_idx %arg4[%parallel_loop3A_166, %parallel_loop3A_181] : memref<24x512xf32, #tpu.memory_space<vmem>>[vector<16xi32>, vector<16xi32>], vector<16xf32>,
        %parallel_loop3A_183 = arith.addf %parallel_loop3A_179, %parallel_loop3A_182 : vector<16xf32>
        %parallel_loop3A_184 = arith.constant 16 : i32
        %parallel_loop3A_185 = arith.muli %parallel_loop3A_165, %parallel_loop3A_184 : i32
        %parallel_loop3A_186 = arith.index_cast %parallel_loop3A_163 : i32 to index
        %parallel_loop3A_187 = arith.index_cast %parallel_loop3A_185 : i32 to index
        %parallel_loop3A_188 = tpu.vector_load %arg6[%parallel_loop3A_186, %parallel_loop3A_187] {strides = array<i32>} : memref<24x128xf32, #tpu.memory_space<vmem>>, vector<16xf32>,
        tpu.vector_store %arg6[%parallel_loop3A_186, %parallel_loop3A_187], %parallel_loop3A_183 {strides = array<i32>} : memref<24x128xf32, #tpu.memory_space<vmem>>, vector<16xf32>,
      } {sc.loop_unroll_factor = 8 : i64, sc.parallel_access}
      %dma_start3A_141 = arith.constant 0 : i32
      %dma_start3A_142 = arith.constant 0 : i32
      %dma_start3A_143 = tpu.memref_slice %arg6[%dma_start3A_141, %dma_start3A_142] : memref<24x128xf32, #tpu.memory_space<vmem>> -> memref<8x128xf32, #tpu.memory_space<vmem>>
      %dma_start3A_144 = arith.constant 0 : i32
      %dma_start3A_145 = tpu.memref_slice %arg3[%add3A_117, %dma_start3A_144] : memref<15000x128xf32, #tpu.memory_space<hbm>> -> memref<8x128xf32, #tpu.memory_space<hbm>>
      %dma_start3A_146 = arith.constant 0 : i32
      %dma_start3A_147 = tpu.memref_slice %arg3[%add3A_117, %dma_start3A_146] : memref<15000x128xf32, #tpu.memory_space<hbm>> -> memref<8x128xf32, #tpu.memory_space<hbm>>
      %dma_start3A_148 = arith.constant 0 : i32
      %dma_start3A_149 = arith.constant 0 : i32
      %dma_start3A_150 = tpu.memref_slice %arg6[%dma_start3A_148, %dma_start3A_149] : memref<24x128xf32, #tpu.memory_space<vmem>> -> memref<8x128xf32, #tpu.memory_space<vmem>>
      tpu.enqueue_dma source(%dma_start3A_150 : memref<8x128xf32, #tpu.memory_space<vmem>>) target(%dma_start3A_147 : memref<8x128xf32, #tpu.memory_space<hbm>>) target_semaphore(%arg10 : memref<!tpu.dma_semaphore, #tpu.memory_space<semaphore_mem>>)
      %dma_wait3A_151 = arith.constant 0 : i32
      %dma_wait3A_152 = arith.constant 0 : i32
      %dma_wait3A_153 = tpu.memref_slice %arg6[%dma_wait3A_151, %dma_wait3A_152] : memref<24x128xf32, #tpu.memory_space<vmem>> -> memref<8x128xf32, #tpu.memory_space<vmem>>
      %dma_wait3A_154 = arith.constant 0 : i32
      %dma_wait3A_155 = tpu.memref_slice %arg3[%add3A_117, %dma_wait3A_154] : memref<15000x128xf32, #tpu.memory_space<hbm>> -> memref<8x128xf32, #tpu.memory_space<hbm>>
      %dma_wait3A_156 = arith.constant 0 : i32
      %dma_wait3A_157 = tpu.memref_slice %arg3[%add3A_117, %dma_wait3A_156] : memref<15000x128xf32, #tpu.memory_space<hbm>> -> memref<8x128xf32, #tpu.memory_space<hbm>>
      %dma_wait3A_158 = arith.constant 0 : i32
      %dma_wait3A_159 = arith.constant 0 : i32
      %dma_wait3A_160 = tpu.memref_slice %arg6[%dma_wait3A_158, %dma_wait3A_159] : memref<24x128xf32, #tpu.memory_space<vmem>> -> memref<8x128xf32, #tpu.memory_space<vmem>>
      tpu.wait_dma2 semaphore(%arg10 : memref<!tpu.dma_semaphore, #tpu.memory_space<semaphore_mem>>) src(%dma_wait3A_160 : memref<8x128xf32, #tpu.memory_space<vmem>>) dst(%dma_wait3A_157 : memref<8x128xf32, #tpu.memory_space<hbm>>)
    } else {
    }
    %gt3A_99 = arith.constant 1 : i32
    %gt3A_100 = arith.cmpi sgt, %add3A_96, %gt3A_99 : i32
    %convert_element_type3A_101 = arith.extui %gt3A_100 : i1 to i32
    %cond3A_102 = arith.constant 0 : i32
    %cond3A_103 = arith.cmpi ne, %convert_element_type3A_101, %cond3A_102 : i32
    scf.if %cond3A_103 {
      %add3A_110 = arith.constant 456 : i32
      %add3A_111 = arith.addi %add3A_8, %add3A_110 : i32
      %add3A_112 = arith.constant 8 : i32
      %add3A_113 = arith.addi %add3A_111, %add3A_112 : i32
      %add3A_114 = arith.constant 456 : i32
      %add3A_115 = arith.addi %mul3A_10, %add3A_114 : i32
      %add3A_116 = arith.constant 8 : i32
      %add3A_117 = arith.addi %add3A_115, %add3A_116 : i32
      %dma_start3A_118 = arith.constant 0 : i32
      %dma_start3A_119 = arith.constant 0 : i32
      %dma_start3A_120 = tpu.memref_slice %arg4[%dma_start3A_118, %dma_start3A_119] : memref<24x512xf32, #tpu.memory_space<vmem>> -> memref<8x512xf32, #tpu.memory_space<vmem>>
      %dma_start3A_121 = arith.constant 0 : i32
      %dma_start3A_122 = tpu.memref_slice %arg2[%add3A_113, %dma_start3A_121] : memref<100000x512xf32, #tpu.memory_space<hbm>> -> memref<8x512xf32, #tpu.memory_space<hbm>>
      %dma_start3A_123 = arith.constant 0 : i32
      %dma_start3A_124 = arith.constant 0 : i32
      %dma_start3A_125 = tpu.memref_slice %arg4[%dma_start3A_123, %dma_start3A_124] : memref<24x512xf32, #tpu.memory_space<vmem>> -> memref<8x512xf32, #tpu.memory_space<vmem>>
      %dma_start3A_126 = arith.constant 0 : i32
      %dma_start3A_127 = tpu.memref_slice %arg2[%add3A_113, %dma_start3A_126] : memref<100000x512xf32, #tpu.memory_space<hbm>> -> memref<8x512xf32, #tpu.memory_space<hbm>>
      tpu.enqueue_dma source(%dma_start3A_127 : memref<8x512xf32, #tpu.memory_space<hbm>>) target(%dma_start3A_125 : memref<8x512xf32, #tpu.memory_space<vmem>>) target_semaphore(%arg8 : memref<!tpu.dma_semaphore, #tpu.memory_space<semaphore_mem>>)
      %dma_wait3A_128 = arith.constant 0 : i32
      %dma_wait3A_129 = arith.constant 0 : i32
      %dma_wait3A_130 = tpu.memref_slice %arg4[%dma_wait3A_128, %dma_wait3A_129] : memref<24x512xf32, #tpu.memory_space<vmem>> -> memref<8x512xf32, #tpu.memory_space<vmem>>
      %dma_wait3A_131 = arith.constant 0 : i32
      %dma_wait3A_132 = tpu.memref_slice %arg2[%add3A_113, %dma_wait3A_131] : memref<100000x512xf32, #tpu.memory_space<hbm>> -> memref<8x512xf32, #tpu.memory_space<hbm>>
      %dma_wait3A_133 = arith.constant 0 : i32
      %dma_wait3A_134 = arith.constant 0 : i32
      %dma_wait3A_135 = tpu.memref_slice %arg4[%dma_wait3A_133, %dma_wait3A_134] : memref<24x512xf32, #tpu.memory_space<vmem>> -> memref<8x512xf32, #tpu.memory_space<vmem>>
      %dma_wait3A_136 = arith.constant 0 : i32
      %dma_wait3A_137 = tpu.memref_slice %arg2[%add3A_113, %dma_wait3A_136] : memref<100000x512xf32, #tpu.memory_space<hbm>> -> memref<8x512xf32, #tpu.memory_space<hbm>>
      tpu.wait_dma2 semaphore(%arg8 : memref<!tpu.dma_semaphore, #tpu.memory_space<semaphore_mem>>) src(%dma_wait3A_137 : memref<8x512xf32, #tpu.memory_space<hbm>>) dst(%dma_wait3A_135 : memref<8x512xf32, #tpu.memory_space<vmem>>)
      %parallel_loop3A_138 = arith.constant 0 : i32
      %parallel_loop3A_139 = arith.constant 64 : i32
      %parallel_loop3A_140 = arith.constant 1 : i32
      scf.for %parallel_loop3A_161 = %parallel_loop3A_138 to %parallel_loop3A_139 step %parallel_loop3A_140  : i32 {
        %parallel_loop3A_162 = arith.constant 3 : i32
        %parallel_loop3A_163 = arith.shrsi %parallel_loop3A_161, %parallel_loop3A_162 : i32
        %parallel_loop3A_164 = arith.constant 7 : i32
        %parallel_loop3A_165 = arith.andi %parallel_loop3A_161, %parallel_loop3A_164 : i32
        %parallel_loop3A_166 = vector.broadcast %parallel_loop3A_163 : i32 to vector<16xi32>
        %parallel_loop3A_167 = arith.constant 64 : i32
        %parallel_loop3A_168 = arith.muli %parallel_loop3A_165, %parallel_loop3A_167 : i32
        %parallel_loop3A_169 = vector.broadcast %parallel_loop3A_168 : i32 to vector<16xi32>
        %parallel_loop3A_170 = arith.addi %add3A_22, %parallel_loop3A_169 : vector<16xi32>
        %parallel_loop3A_171 = tpu.vector_load_idx %arg4[%parallel_loop3A_166, %parallel_loop3A_170] : memref<24x512xf32, #tpu.memory_space<vmem>>[vector<16xi32>, vector<16xi32>], vector<16xf32>,
        %parallel_loop3A_172 = vector.broadcast %parallel_loop3A_168 : i32 to vector<16xi32>
        %parallel_loop3A_173 = arith.addi %add3A_32, %parallel_loop3A_172 : vector<16xi32>
        %parallel_loop3A_174 = tpu.vector_load_idx %arg4[%parallel_loop3A_166, %parallel_loop3A_173] : memref<24x512xf32, #tpu.memory_space<vmem>>[vector<16xi32>, vector<16xi32>], vector<16xf32>,
        %parallel_loop3A_175 = arith.addf %parallel_loop3A_171, %parallel_loop3A_174 : vector<16xf32>
        %parallel_loop3A_176 = vector.broadcast %parallel_loop3A_168 : i32 to vector<16xi32>
        %parallel_loop3A_177 = arith.addi %add3A_42, %parallel_loop3A_176 : vector<16xi32>
        %parallel_loop3A_178 = tpu.vector_load_idx %arg4[%parallel_loop3A_166, %parallel_loop3A_177] : memref<24x512xf32, #tpu.memory_space<vmem>>[vector<16xi32>, vector<16xi32>], vector<16xf32>,
        %parallel_loop3A_179 = arith.addf %parallel_loop3A_175, %parallel_loop3A_178 : vector<16xf32>
        %parallel_loop3A_180 = vector.broadcast %parallel_loop3A_168 : i32 to vector<16xi32>
        %parallel_loop3A_181 = arith.addi %add3A_52, %parallel_loop3A_180 : vector<16xi32>
        %parallel_loop3A_182 = tpu.vector_load_idx %arg4[%parallel_loop3A_166, %parallel_loop3A_181] : memref<24x512xf32, #tpu.memory_space<vmem>>[vector<16xi32>, vector<16xi32>], vector<16xf32>,
        %parallel_loop3A_183 = arith.addf %parallel_loop3A_179, %parallel_loop3A_182 : vector<16xf32>
        %parallel_loop3A_184 = arith.constant 16 : i32
        %parallel_loop3A_185 = arith.muli %parallel_loop3A_165, %parallel_loop3A_184 : i32
        %parallel_loop3A_186 = arith.index_cast %parallel_loop3A_163 : i32 to index
        %parallel_loop3A_187 = arith.index_cast %parallel_loop3A_185 : i32 to index
        %parallel_loop3A_188 = tpu.vector_load %arg6[%parallel_loop3A_186, %parallel_loop3A_187] {strides = array<i32>} : memref<24x128xf32, #tpu.memory_space<vmem>>, vector<16xf32>,
        tpu.vector_store %arg6[%parallel_loop3A_186, %parallel_loop3A_187], %parallel_loop3A_183 {strides = array<i32>} : memref<24x128xf32, #tpu.memory_space<vmem>>, vector<16xf32>,
      } {sc.loop_unroll_factor = 8 : i64, sc.parallel_access}
      %dma_start3A_141 = arith.constant 0 : i32
      %dma_start3A_142 = arith.constant 0 : i32
      %dma_start3A_143 = tpu.memref_slice %arg6[%dma_start3A_141, %dma_start3A_142] : memref<24x128xf32, #tpu.memory_space<vmem>> -> memref<8x128xf32, #tpu.memory_space<vmem>>
      %dma_start3A_144 = arith.constant 0 : i32
      %dma_start3A_145 = tpu.memref_slice %arg3[%add3A_117, %dma_start3A_144] : memref<15000x128xf32, #tpu.memory_space<hbm>> -> memref<8x128xf32, #tpu.memory_space<hbm>>
      %dma_start3A_146 = arith.constant 0 : i32
      %dma_start3A_147 = tpu.memref_slice %arg3[%add3A_117, %dma_start3A_146] : memref<15000x128xf32, #tpu.memory_space<hbm>> -> memref<8x128xf32, #tpu.memory_space<hbm>>
      %dma_start3A_148 = arith.constant 0 : i32
      %dma_start3A_149 = arith.constant 0 : i32
      %dma_start3A_150 = tpu.memref_slice %arg6[%dma_start3A_148, %dma_start3A_149] : memref<24x128xf32, #tpu.memory_space<vmem>> -> memref<8x128xf32, #tpu.memory_space<vmem>>
      tpu.enqueue_dma source(%dma_start3A_150 : memref<8x128xf32, #tpu.memory_space<vmem>>) target(%dma_start3A_147 : memref<8x128xf32, #tpu.memory_space<hbm>>) target_semaphore(%arg10 : memref<!tpu.dma_semaphore, #tpu.memory_space<semaphore_mem>>)
      %dma_wait3A_151 = arith.constant 0 : i32
      %dma_wait3A_152 = arith.constant 0 : i32
      %dma_wait3A_153 = tpu.memref_slice %arg6[%dma_wait3A_151, %dma_wait3A_152] : memref<24x128xf32, #tpu.memory_space<vmem>> -> memref<8x128xf32, #tpu.memory_space<vmem>>
      %dma_wait3A_154 = arith.constant 0 : i32
      %dma_wait3A_155 = tpu.memref_slice %arg3[%add3A_117, %dma_wait3A_154] : memref<15000x128xf32, #tpu.memory_space<hbm>> -> memref<8x128xf32, #tpu.memory_space<hbm>>
      %dma_wait3A_156 = arith.constant 0 : i32
      %dma_wait3A_157 = tpu.memref_slice %arg3[%add3A_117, %dma_wait3A_156] : memref<15000x128xf32, #tpu.memory_space<hbm>> -> memref<8x128xf32, #tpu.memory_space<hbm>>
      %dma_wait3A_158 = arith.constant 0 : i32
      %dma_wait3A_159 = arith.constant 0 : i32
      %dma_wait3A_160 = tpu.memref_slice %arg6[%dma_wait3A_158, %dma_wait3A_159] : memref<24x128xf32, #tpu.memory_space<vmem>> -> memref<8x128xf32, #tpu.memory_space<vmem>>
      tpu.wait_dma2 semaphore(%arg10 : memref<!tpu.dma_semaphore, #tpu.memory_space<semaphore_mem>>) src(%dma_wait3A_160 : memref<8x128xf32, #tpu.memory_space<vmem>>) dst(%dma_wait3A_157 : memref<8x128xf32, #tpu.memory_space<hbm>>)
    } else {
    }
    %add3A_104 = arith.constant 408 : i32
    %add3A_105 = arith.addi %mul3A_10, %add3A_104 : i32
    %dma_wait3A_106 = arith.constant 0 : i32
    %dma_wait3A_107 = tpu.memref_slice %arg3[%add3A_105, %dma_wait3A_106] : memref<15000x128xf32, #tpu.memory_space<hbm>> -> memref<24x128xf32, #tpu.memory_space<hbm>>
    %dma_wait3A_108 = arith.constant 0 : i32
    %dma_wait3A_109 = tpu.memref_slice %arg3[%add3A_105, %dma_wait3A_108] : memref<15000x128xf32, #tpu.memory_space<hbm>> -> memref<24x128xf32, #tpu.memory_space<hbm>>
    tpu.wait_dma2 semaphore(%arg11 : memref<!tpu.dma_semaphore, #tpu.memory_space<semaphore_mem>>) src(%arg7 : memref<24x128xf32, #tpu.memory_space<vmem>>) dst(%dma_wait3A_109 : memref<24x128xf32, #tpu.memory_space<hbm>>)
    return
  }
}

module attributes {stable_mosaic.version = 14 : i64} {
  func.func @_tc_body(%arg0: i32, %arg1: memref<5000x512xf32, #tpu.memory_space<vmem>>, %arg2: memref<512x128xf32, #tpu.memory_space<vmem>>, %arg3: memref<5000x128xf32, #tpu.memory_space<vmem>>) attributes {dimension_semantics = [#tpu.dimension_semantics<arbitrary>], iteration_bounds = array<i64: 17>, scalar_prefetch = 0 : i64, scratch_operands = 0 : i64, tpu.core_type = #tpu.core_type<tc>, window_params = [{transform_indices = @transform_0, window_bounds = array<i64: 5000, 512>}, {pipeline_mode = #tpu.pipeline_mode<synchronous>, transform_indices = @transform_1, window_bounds = array<i64: 512, 128>}, {transform_indices = @transform_2, window_bounds = array<i64: 5000, 128>}]} {
    %get3A = arith.constant 0 : index
    %get3A_0 = arith.constant 0 : index
    %get3A_1 = vector.load %arg1[%get3A, %get3A_0] : memref<5000x512xf32, #tpu.memory_space<vmem>>, vector<5000x512xf32>
    %get3A_2 = arith.constant 0 : index
    %get3A_3 = arith.constant 0 : index
    %get3A_4 = vector.load %arg2[%get3A_2, %get3A_3] : memref<512x128xf32, #tpu.memory_space<vmem>>, vector<512x128xf32>
    %dot_general3A = arith.constant dense<0.000000e+00> : vector<5000x128xf32>
    %dot_general3A_5 = tpu.matmul %get3A_1, %get3A_4, %dot_general3A {dimension_numbers = #tpu.dot_dimension_numbers<[1], [0], [0], [1], [0, 0, 1, 1], [], []>, transpose_lhs_hint = false} : vector<5000x512xf32>, vector<512x128xf32>, vector<5000x128xf32> -> vector<5000x128xf32>
    %swap3A = arith.constant 0 : index
    %swap3A_6 = arith.constant 0 : index
    %swap3A_7 = vector.load %arg3[%swap3A, %swap3A_6] : memref<5000x128xf32, #tpu.memory_space<vmem>>, vector<5000x128xf32>
    tpu.vector_store %arg3[%swap3A, %swap3A_6], %dot_general3A_5 {strides = array<i32>} : memref<5000x128xf32, #tpu.memory_space<vmem>>, vector<5000x128xf32>,
    return
  }
  func.func @transform_0(%arg0: i32) -> (i32, i32) {
    %c0_i32 = arith.constant 0 : i32
    %c0_i32_0 = arith.constant 0 : i32
    return %arg0, %c0_i32 : i32, i32
  }
  func.func @transform_1(%arg0: i32) -> (i32, i32) {
    %c0_i32 = arith.constant 0 : i32
    %c0_i32_0 = arith.constant 0 : i32
    %c0_i32_1 = arith.constant 0 : i32
    return %c0_i32, %c0_i32_0 : i32, i32
  }
  func.func @transform_2(%arg0: i32) -> (i32, i32) {
    %c0_i32 = arith.constant 0 : i32
    %c0_i32_0 = arith.constant 0 : i32
    return %arg0, %c0_i32 : i32, i32
  }
}

</mosaic_0001>

<sc_bundles>
// kernel: kernel.4.cloned.1.call-start
scs
__scs_entry_jumppad:
0x0: {  	(pc) =	sbr.rel $0x88, $3  }
0x1: {  	(tag) =	ssettag $0x0;
	lr =	simm.s32 $0x1  }
0x2: {  	[smem:$0x3FA0] =	sst lr;
	_ =	strace $0xD0000000  }
0x3: {  	_ = 	snop  }
0x4: {  	_ = 	snop  }
0x5: {  	_ = 	snop  }
0x6: {  	_ = 	snop  }
0x7: {  	_ = 	snop  }
__scs_overlays_trampoline_lowered:
0x8: {  	[smem:$0x3FAF] =	sst s0  }
0x9: {  	[smem:$0x3FB0] =	sst s1  }
0xa: {  	[smem:$0x3FB1] =	sst s2  }
0xb: {  	[smem:$0x3FB2] =	sst s3  }
0xc: {  	[smem:$0x3FB3] =	sst s4  }
0xd: {  	[smem:$0x3FB4] =	sst s5  }
0xe: {  	[smem:$0x3FB5] =	sst s6  }
0xf: {  	[smem:$0x3FB6] =	sst s7  }
0x10: {  	[smem:$0x3FB7] =	sst s8  }
0x11: {  	[smem:$0x3FB8] =	sst s9;
	s0 =	simm.s32 @!p0 $0x0  }
0x12: {  	s1 =	sld [smem:$0x3F9E];
	s0 =	simm.s32 @p0 $0x1  }
0x13: {  	[smem:$0x3FB9] =	sst s0;
	s0 =	simm.s32 @!p1 $0x0  }
0x14: {  	s2 =	sld [smem:$0x3F9D];
	s0 =	simm.s32 @p1 $0x1  }
0x15: {  	[smem:$0x3FBA] =	sst s0;
	s0 =	simm.s32 @!p2 $0x0  }
0x16: {  	s3 =	sld [smem:$0x3FDB];
	s0 =	simm.s32 @p2 $0x1  }
0x17: {  	s4 =	simm.s32 $0x1BF5;
	[smem:$0x3FBC] =	sst s0  }
0x18: {  	s0 =	sld [smem:$0x3F9F];
	_ =	swait.ge [sflag:s4], $0x0  }
0x19: {  	s7 =	sld [smem:$0x3FA0]  }
0x1a: {  	s8 =	sadd.s32 $0xFFFFE003, lr  }
0x1b: {  	s9 =	sadd.s32 $0xFFFFFEF7, lr;
	s5 =	simm.s32 $0xFFFFFFFF;
	p2 =	slt.u32 s8, $0xFFFFF086  }
0x1c: {  	p1 =	slt.u32 s9, $0xF7A;
	s5 =	simm.s32 @!p2 $0x0  }
0x1d: {  	s5 =	simm.s32 @p1 $0x1;
	p0 =	seq.s32 s7, s2  }
0x1e: {  	s7 =	smul.u32 @!p0 $0xF7A, s2;
	p2 =	seq.s32 @!p0 s5, $0x0  }
0x1f: {  	s9 =	smul.u32 $0xF7A, s1;
	s8 =	simm.s32 @!p0 $0x1BF5;
	p2 =	por !p2, p0  }
0x20: {  	[sflag:s8] =	ssyncset.s32 @!p0 $0xFFFFF086;
	s6 =	sadd.s32 @!p0 s3, s7;
	s7 =	simm.s32 @!p0 $0x108  }
0x21: {  	s3 =	sadd.s32 s3, s9;
	s6 =	sadd.s32 @!p0 $0x88, s6;
	s7 =	simm.s32 @p2 $0x1082  }
0x22: {  	[simem:s7], [sflag:s8] =	dma.local @!p0 [hbm:s6], $0xF7A  }
0x23: {  	s9 =	sor.u32 $0xD0000000, s2;
	s6 =	simm.s32 $0x108;
	_ =	swait.ge @!p0 [sflag:s8], $0x0  }
0x24: {  	s3 =	sadd.s32 $0x88, s3;
	s6 =	simm.s32 @!p1 $0x1082;
	[sflag:s4] =	ssyncset.s32 $0xFFFFF086  }
0x25: {  	[simem:s6], [sflag:s4] =	dma.local [hbm:s3], $0xF7A  }
0x26: {  	[smem:$0x3FA0] =	sst s1;
	(tag) =	ssettag s2;
	_ =	strace s9  }
0x27: {  	s1 =	sld [smem:$0x3FB0]  }
0x28: {  	s2 =	sld [smem:$0x3FB1]  }
0x29: {  	s4 =	sld [smem:$0x3FB3]  }
0x2a: {  	p0 =	seq.s32 s5, $0x0;
	s5 =	sld [smem:$0x3FB4]  }
0x2b: {  	s6 =	sld [smem:$0x3FB5]  }
0x2c: {  	s7 =	sld [smem:$0x3FB6]  }
0x2d: {  	s3 =	simm.s32 $0x108;
	s8 =	sld [smem:$0x3FB7]  }
0x2e: {  	s3 =	simm.s32 @!p0 $0x1082;
	s9 =	sld [smem:$0x3FB8]  }
0x2f: {  	lr =	sadd.s32 s0, s3;
	s0 =	sld [smem:$0x3FAF]  }
0x30: {  	s3 =	sld [smem:$0x3FB2]  }
0x31: {  	[smem:$0x3FBB] =	sst s10  }
0x32: {  	s10 =	sld [smem:$0x3FB9];
	_ =	sdelay $0x3  }
0x33: {  	p0 =	seq.s32 s10, $0x1;
	s10 =	sld [smem:$0x3FBB];
	_ =	sdelay $0x3  }
0x34: {  	[smem:$0x3FBB] =	sst s10  }
0x35: {  	s10 =	sld [smem:$0x3FBA];
	_ =	sdelay $0x3  }
0x36: {  	p1 =	seq.s32 s10, $0x1;
	s10 =	sld [smem:$0x3FBB];
	_ =	sdelay $0x3  }
0x37: {  	[smem:$0x3FBB] =	sst s10  }
0x38: {  	s10 =	sld [smem:$0x3FBC]  }
0x39: {  	_ = 	snop;
	(pc) =	sbr.ind lr, $3  }
0x3a: {  	_ = 	snop  }
0x3b: {  	_ = 	snop  }
0x3c: {  	p2 =	seq.s32 s10, $0x1;
	s10 =	sld [smem:$0x3FBB]  }
0x3d: {  	_ =	shalt  }
0x3e: {  	_ =	shalt  }
0x3f: {  	_ =	shalt  }
0x40: {  	_ =	shalt  }
0x41: {  	_ =	shalt  }
0x42: {  	_ =	shalt  }
0x43: {  	_ =	shalt  }
0x44: {  	_ =	shalt  }
0x45: {  	_ =	shalt  }
0x46: {  	_ =	shalt  }
0x47: {  	_ =	shalt  }
0x48: {  	_ =	shalt  }
0x49: {  	_ =	shalt  }
0x4a: {  	_ =	shalt  }
0x4b: {  	_ =	shalt  }
0x4c: {  	_ =	shalt  }
0x4d: {  	_ =	shalt  }
0x4e: {  	_ =	shalt  }
0x4f: {  	_ =	shalt  }
0x50: {  	_ =	shalt  }
0x51: {  	_ =	shalt  }
0x52: {  	_ =	shalt  }
0x53: {  	_ =	shalt  }
0x54: {  	_ =	shalt  }
0x55: {  	_ =	shalt  }
0x56: {  	_ =	shalt  }
0x57: {  	_ =	shalt  }
0x58: {  	_ =	shalt  }
0x59: {  	_ =	shalt  }
0x5a: {  	_ =	shalt  }
0x5b: {  	_ =	shalt  }
0x5c: {  	_ =	shalt  }
0x5d: {  	_ =	shalt  }
0x5e: {  	_ =	shalt  }
0x5f: {  	_ =	shalt  }
0x60: {  	_ =	shalt  }
0x61: {  	_ =	shalt  }
0x62: {  	_ =	shalt  }
0x63: {  	_ =	shalt  }
0x64: {  	_ =	shalt  }
0x65: {  	_ =	shalt  }
0x66: {  	_ =	shalt  }
0x67: {  	_ =	shalt  }
0x68: {  	_ =	shalt  }
0x69: {  	_ =	shalt  }
0x6a: {  	_ =	shalt  }
0x6b: {  	_ =	shalt  }
0x6c: {  	_ =	shalt  }
0x6d: {  	_ =	shalt  }
0x6e: {  	_ =	shalt  }
0x6f: {  	_ =	shalt  }
0x70: {  	_ =	shalt  }
0x71: {  	_ =	shalt  }
0x72: {  	_ =	shalt  }
0x73: {  	_ =	shalt  }
0x74: {  	_ =	shalt  }
0x75: {  	_ =	shalt  }
0x76: {  	_ =	shalt  }
0x77: {  	_ =	shalt  }
0x78: {  	_ =	shalt  }
0x79: {  	_ =	shalt  }
0x7a: {  	_ =	shalt  }
0x7b: {  	_ =	shalt  }
0x7c: {  	_ =	shalt  }
0x7d: {  	_ =	shalt  }
0x7e: {  	_ =	shalt  }
0x7f: {  	_ =	shalt  }
0x80: {  	_ =	shalt  }
0x81: {  	_ =	shalt  }
0x82: {  	_ =	shalt  }
0x83: {  	_ =	shalt  }
0x84: {  	_ =	shalt  }
0x85: {  	_ =	shalt  }
0x86: {  	_ =	shalt  }
0x87: {  	_ =	shalt  }
.Lfunc_end0:
.L_simem_size_0:
called_computation_lowered:
.L_overlay_start_0:
0x88: {  	s2 =	sld [smem:$0x3FD9]  }
0x89: {  	s3 =	sld [smem:$0x3FFE];
	_ =	sdelay $0x1  }
0x8a: {  	s1 =	srdreg.scid  }
0x8b: {  	s0 =	sand.u32 $0x1, s1  }
0x8c: {  	s17 =	sshll.u32 s0, $0xA;
	s2 =	sadd.s32 s3, s2  }
0x8d: {  	s2 =	sadd.s32 s2, s17  }
0x8e: {  	[smem:$0x3FC7] =	sst s2  }
0x8f: {  	_ = 	snop  }
0x90: {  	s2 =	sld [smem:$0x3FC9];
	(tm) =	ssettm $0x1  }
0x91: {  	s18 =	sld [smem:$0x3FFB];
	_ =	sdelay $0x3  }
0x92: {  	_ =	strace s18  }
0x93: {  	s3 =	sld [smem:$0x3FFC];
	_ =	sdelay $0x3  }
0x94: {  	_ =	strace s3  }
0x95: {  	s3 =	sld [smem:$0x3FFD];
	_ =	sdelay $0x3  }
0x96: {  	_ =	strace s3  }
0x97: {  	_ =	strace $0x8FFFFFFF  }
0x98: {  	s19 =	sld [smem:$0x3FDB];
	_ =	sdelay $0x1  }
0x99: {  	s4 =	simm.s32 $_scs_section_size  }
0x9a: {  	s5 =	simm.s32 $_size__tile_overlayer_lowered;
	s6 =	simm.s32 $_tile_overlayer_lowered  }
0x9b: {  	s22 =	simm.s32 $0x1BFF;
	s21 =	sshll.u32 s6, $0x1;
	s3 =	sadd.s32 s4, s19  }
0x9c: {  	s7 =	simm.s32 $0x0;
	s20 =	sshll.u32 s5, $0x1;
	s5 =	sadd.s32 s21, s3  }
0x9d: {  	[timem:s7], [sflag:s22] =	dma.local [hbm:s5], s20  }
0x9e: {  	_ =	swait.ge [sflag:s22], s20  }
0x9f: {  	s4 =	ssub.s32 $0x0, s20;
	[sflag:s22] =	ssyncset.done $0x0  }
0xa0: {  	[sflag:s22] =	ssyncadd.s32 s4;
	_ =	sdelay $0x1  }
0xa1: {  	s23 =	simm.s32 $0x1B8B  }
0xa2: {  	_ =	swait.ge [sflag:s23], $0x1  }
0xa3: {  	[sflag:s23] =	ssyncset.done $0x0  }
0xa4: {  	s25 =	simm.s32 $0x1B8E;
	s24 =	sld [smem:$0x3FFE];
	[sflag:s23] =	ssyncadd.s32 $0xFFFFFFFF  }
0xa5: {  	s26 =	simm.s32 $execute0_lowered;
	[smem:$0x3FD2] =	sst s25  }
0xa6: {  	s5 =	sshll.u32 s26, $0x1;
	_ =	strace $0x80000046;
	[dreg:$0x1] =	wrdreg $0xFFFFFFFF  }
0xa7: {  	s28 =	simm.s32 $_size_execute0_lowered;
	s3 =	sadd.s32 s3, s5;
	[dreg:$0x0] =	wrdreg $0x0  }
0xa8: {  	s5 =	sshll.u32 s28, $0x1;
	[dreg:$0x2] =	wrdreg s3  }
0xa9: {  	[dreg:$0x3] =	wrdreg s5  }
0xaa: {  	[dreg:$0x4] =	wrdreg $0xC0  }
0xab: {  	_ =	task [dreg:s7], $0x5FFFF  }
0xac: {  	[dreg:$0x1] =	wrdreg $0xFFFFFFFF  }
0xad: {  	[dreg:$0x0] =	wrdreg $0x60  }
0xae: {  	[dreg:$0x2] =	wrdreg s2  }
0xaf: {  	[dreg:$0x3] =	wrdreg s24  }
0xb0: {  	[dreg:$0x4] =	wrdreg $0x9  }
0xb1: {  	_ =	task.clear_ibuf [dreg:s7], $0x5FFFF;
	_ =	strace $0x90000046  }
0xb2: {  	s29 =	simm.s32 $0x9;
	_ =	strace $0x80000048  }
0xb3: {  	_ =	swait.ge [sflag:s29], $0x1  }
0xb4: {  	[sflag:s29] =	ssyncadd.s32 $0xFFFFFFFF  }
0xb5: {  	_ =	strace $0x90000048  }
0xb6: {  	_ =	sfence  }
0xb7: {  	s30 =	sld [smem:$0x0];
	_ =	sdelay $0x2  }
0xb8: {  	s31 =	sshll.u32 s1, $0xD;
	s1 =	sshrl.u32 s1, $0x2  }
0xb9: {  	s3 =	sand.u32 $0x4000, s31;
	s1 =	sadd.s32 s1, s30  }
0xba: {  	s0 =	sor.u32 s3, s0;
	s1 =	sshll.u32 s1, $0x11  }
0xbb: {  	s0 =	sor.u32 s1, s0  }
0xbc: {  	s0 =	sadd.s32 $0x8F2B, s0  }
0xbd: {  	[sflag:s0] =	ssyncadd.remote.s32 $0x1  }
0xbe: {  	_ =	sfence.sel $0xFFFF  }
0xbf: {  	[dreg:$0x0] =	wrdreg $0xFFFFFFFF;
	(pc) =	sbr.abs _section_cstart, $3  }
0xc0: {  	[dreg:$0x1] =	wrdreg $0xFFFFFFFF  }
0xc1: {  	_ =	task.clear_ibuf [dreg:s7], $0x2FFFF;
	_ =	strace $0x9FFFFFFF  }
0xc2: {  	(tm) =	ssettm $0x7FFFFFFF  }
0xc3: {  	_ =	shalt  }
tec
execute0_lowered:
.L_overlay_start_1:
0x0: {  	(tag) =	ssettag $0x1  }
0x1: {  	v0 =	vimm.s32 $0x2E2A2622;
	v1 =	vimm.s32 $0x3F3B3733  }
0x2: {  	v2 =	vimm.s32 $0xC080400;
	v3 =	vimm.s32 $0x1D191511;
	v4 =	vimm.s32 $0x2F2B2723  }
0x3: {  	v5 =	vimm.s32 $0x3C383430;
	vm0 =	vcmask $0x1F10;
	v6 =	vimm.s32 $0xE0A0602  }
0x4: {  	v7 =	vimm.s32 $0x1F1B1713;
	v8 =	vimm.s32 $0x4C484440;
	v9 =	vimm.s32 $0x5D595551  }
0x5: {  	v10 =	vimm.s32 $0x6F6B6763;
	v11 =	vimm.s32 $0x7C787470;
	vm14 =	vcmask $0x300  }
0x6: {  	vm13 =	vcmask $0x704;
	vm12 =	vcmask $0xB08;
	v12 =	vimm.s32 $0x5C585450  }
0x7: {  	vm11 =	vcmask $0xF0C;
	vm10 =	vcmask $0x1310;
	vm9 =	vcmask $0x1714  }
0x8: {  	vm6 =	vcmask $0x1B18;
	vm15 =	vcmask $0x1F1C;
	vm1 =	vcmask $0x2320  }
0x9: {  	vm2 =	vcmask $0x2724;
	vm3 =	vcmask $0x2B28;
	vm4 =	vcmask $0x2F2C  }
0xa: {  	vm5 =	vcmask $0x3330;
	vm7 =	vcmask $0x3734;
	vm8 =	vcmask $0x3B38  }
0xb: {  	v13 =	vimm.s32 $0x47C;
	v14 =	vimm.s32 $0x47D;
	v15 =	vimm.s32 $0x47E  }
0xc: {  	v16 =	vimm.s32 $0x83F;
	v17 =	vimm.s32 $0x83C;
	v18 =	vimm.s32 $0x83D  }
0xd: {  	v19 =	vimm.s32 $0x83E;
	v20 =	vimm.s32 $0x87F;
	v21 =	vimm.s32 $0x87C  }
0xe: {  	v22 =	vimm.s32 $0x87D;
	v23 =	vimm.s32 $0x87E;
	v24 =	vimm.s32 $0xC3F  }
0xf: {  	v25 =	vimm.s32 $0xC3C;
	v26 =	vimm.s32 $0xC3D;
	v27 =	vimm.s32 $0xC3E  }
0x10: {  	v28 =	vimm.s32 $0xC7F;
	v29 =	vimm.s32 $0xC7C;
	v30 =	vimm.s32 $0xC7D  }
0x11: {  	v31 =	vimm.s32 $0xC7E;
	v0 =	vunpack.c.0.s8.s32 v0;
	v1 =	vunpack.c.0.s8.s32 v1  }
0x12: {  	v2 =	vunpack.c.0.s8.s32 v2;
	v3 =	vunpack.c.0.s8.s32 v3;
	v4 =	vunpack.c.0.s8.s32 v4  }
0x13: {  	v5 =	vunpack.c.0.s8.s32 v5;
	v8 =	vunpack.c.0.s8.s32 v8;
	v9 =	vunpack.c.0.s8.s32 v9  }
0x14: {  	v12 =	vunpack.c.0.s8.s32 v12;
	v13 =	vsel vm14, $0x441, v13;
	v14 =	vsel vm14, $0x442, v14  }
0x15: {  	v15 =	vsel vm14, $0x443, v15;
	v16 =	vsel vm14, $0x800, v16;
	v17 =	vsel vm14, $0x801, v17  }
0x16: {  	v18 =	vsel vm14, $0x802, v18;
	v19 =	vsel vm14, $0x803, v19;
	v20 =	vsel vm14, $0x840, v20  }
0x17: {  	v21 =	vsel vm14, $0x841, v21;
	v22 =	vsel vm14, $0x842, v22;
	v23 =	vsel vm14, $0x843, v23  }
0x18: {  	v24 =	vsel vm14, $0xC00, v24;
	v25 =	vsel vm14, $0xC01, v25;
	v26 =	vsel vm14, $0xC02, v26  }
0x19: {  	v27 =	vsel vm14, $0xC03, v27;
	v28 =	vsel vm14, $0xC40, v28;
	v29 =	vsel vm14, $0xC41, v29  }
0x1a: {  	v30 =	vsel vm14, $0xC42, v30;
	v31 =	vsel vm14, $0xC43, v31;
	v13 =	vsel vm13, $0x445, v13  }
0x1b: {  	v14 =	vsel vm13, $0x446, v14;
	v15 =	vsel vm13, $0x447, v15;
	v16 =	vsel vm13, $0x804, v16  }
0x1c: {  	v17 =	vsel vm13, $0x805, v17;
	v18 =	vsel vm13, $0x806, v18;
	v19 =	vsel vm13, $0x807, v19  }
0x1d: {  	v20 =	vsel vm13, $0x844, v20;
	v21 =	vsel vm13, $0x845, v21;
	v22 =	vsel vm13, $0x846, v22  }
0x1e: {  	v23 =	vsel vm13, $0x847, v23;
	v24 =	vsel vm13, $0xC04, v24;
	v25 =	vsel vm13, $0xC05, v25  }
0x1f: {  	v26 =	vsel vm13, $0xC06, v26;
	v27 =	vsel vm13, $0xC07, v27;
	v28 =	vsel vm13, $0xC44, v28  }
0x20: {  	v29 =	vsel vm13, $0xC45, v29;
	v30 =	vsel vm13, $0xC46, v30;
	v31 =	vsel vm13, $0xC47, v31  }
0x21: {  	v0 =	vsel vm0, v1, v0;
	v1 =	vsel vm0, v3, v2;
	v2 =	vimm.s32 $0xD090501  }
0x22: {  	v3 =	vimm.s32 $0x1E1A1612;
	v13 =	vsel vm12, $0x449, v13;
	v14 =	vsel vm12, $0x44A, v14  }
0x23: {  	v15 =	vsel vm12, $0x44B, v15;
	v16 =	vsel vm12, $0x808, v16;
	v17 =	vsel vm12, $0x809, v17  }
0x24: {  	v18 =	vsel vm12, $0x80A, v18;
	v19 =	vsel vm12, $0x80B, v19;
	v20 =	vsel vm12, $0x848, v20  }
0x25: {  	v21 =	vsel vm12, $0x849, v21;
	v22 =	vsel vm12, $0x84A, v22;
	v23 =	vsel vm12, $0x84B, v23  }
0x26: {  	v24 =	vsel vm12, $0xC08, v24;
	v25 =	vsel vm12, $0xC09, v25;
	v26 =	vsel vm12, $0xC0A, v26  }
0x27: {  	v27 =	vsel vm12, $0xC0B, v27;
	v28 =	vsel vm12, $0xC48, v28;
	v29 =	vsel vm12, $0xC49, v29  }
0x28: {  	v30 =	vsel vm12, $0xC4A, v30;
	v31 =	vsel vm12, $0xC4B, v31;
	v54 =	vcombine.low v1, v0  }
0x29: {  	v1 =	vsel vm0, v5, v4;
	v2 =	vunpack.c.0.s8.s32 v2;
	v4 =	vimm.s32 $0x2C282420  }
0x2a: {  	v3 =	vunpack.c.0.s8.s32 v3;
	v5 =	vimm.s32 $0x3D393531;
	v13 =	vsel vm11, $0x44D, v13  }
0x2b: {  	v14 =	vsel vm11, $0x44E, v14;
	v15 =	vsel vm11, $0x44F, v15;
	v16 =	vsel vm11, $0x80C, v16  }
0x2c: {  	v17 =	vsel vm11, $0x80D, v17;
	v18 =	vsel vm11, $0x80E, v18;
	v19 =	vsel vm11, $0x80F, v19  }
0x2d: {  	v20 =	vsel vm11, $0x84C, v20;
	v21 =	vsel vm11, $0x84D, v21;
	v22 =	vsel vm11, $0x84E, v22  }
0x2e: {  	v23 =	vsel vm11, $0x84F, v23;
	v24 =	vsel vm11, $0xC0C, v24;
	v25 =	vsel vm11, $0xC0D, v25  }
0x2f: {  	v26 =	vsel vm11, $0xC0E, v26;
	v27 =	vsel vm11, $0xC0F, v27;
	v28 =	vsel vm11, $0xC4C, v28  }
0x30: {  	v29 =	vsel vm11, $0xC4D, v29;
	v30 =	vsel vm11, $0xC4E, v30;
	v31 =	vsel vm11, $0xC4F, v31  }
0x31: {  	v4 =	vunpack.c.0.s8.s32 v4;
	v5 =	vunpack.c.0.s8.s32 v5;
	v13 =	vsel vm10, $0x452, v13  }
0x32: {  	v14 =	vsel vm10, $0x453, v14;
	v15 =	vsel vm10, $0x450, v15;
	v16 =	vsel vm10, $0x811, v16  }
0x33: {  	v17 =	vsel vm10, $0x812, v17;
	v18 =	vsel vm10, $0x813, v18;
	v19 =	vsel vm10, $0x810, v19  }
0x34: {  	v20 =	vsel vm10, $0x851, v20;
	v21 =	vsel vm10, $0x852, v21;
	v22 =	vsel vm10, $0x853, v22  }
0x35: {  	v23 =	vsel vm10, $0x850, v23;
	v24 =	vsel vm10, $0xC11, v24;
	v25 =	vsel vm10, $0xC12, v25  }
0x36: {  	v26 =	vsel vm10, $0xC13, v26;
	v27 =	vsel vm10, $0xC10, v27;
	v28 =	vsel vm10, $0xC51, v28  }
0x37: {  	v29 =	vsel vm10, $0xC52, v29;
	v30 =	vsel vm10, $0xC53, v30;
	v31 =	vsel vm10, $0xC50, v31  }
0x38: {  	v2 =	vsel vm0, v3, v2;
	v3 =	vunpack.c.0.s8.s32 v6;
	v6 =	vunpack.c.0.s8.s32 v7  }
0x39: {  	v7 =	vimm.s32 $0x3E3A3632;
	v13 =	vsel vm9, $0x456, v13;
	v14 =	vsel vm9, $0x457, v14  }
0x3a: {  	v15 =	vsel vm9, $0x454, v15;
	v16 =	vsel vm9, $0x815, v16;
	v17 =	vsel vm9, $0x816, v17  }
0x3b: {  	v18 =	vsel vm9, $0x817, v18;
	v19 =	vsel vm9, $0x814, v19;
	v20 =	vsel vm9, $0x855, v20  }
0x3c: {  	v21 =	vsel vm9, $0x856, v21;
	v22 =	vsel vm9, $0x857, v22;
	v23 =	vsel vm9, $0x854, v23  }
0x3d: {  	v24 =	vsel vm9, $0xC15, v24;
	v25 =	vsel vm9, $0xC16, v25;
	v26 =	vsel vm9, $0xC17, v26  }
0x3e: {  	v27 =	vsel vm9, $0xC14, v27;
	v28 =	vsel vm9, $0xC55, v28;
	v29 =	vsel vm9, $0xC56, v29  }
0x3f: {  	v30 =	vsel vm9, $0xC57, v30;
	v31 =	vsel vm9, $0xC54, v31;
	v4 =	vsel vm0, v5, v4  }
0x40: {  	v5 =	vimm.s32 $0x2D292521;
	v55 =	vcombine.low v2, v1;
	v13 =	vsel vm6, $0x45A, v13  }
0x41: {  	v15 =	vsel vm6, $0x458, v15;
	v17 =	vsel vm6, $0x81A, v17;
	v18 =	vsel vm6, $0x81B, v18  }
0x42: {  	v20 =	vsel vm6, $0x859, v20;
	v21 =	vsel vm6, $0x85A, v21;
	v22 =	vsel vm6, $0x85B, v22  }
0x43: {  	v24 =	vsel vm6, $0xC19, v24;
	v25 =	vsel vm6, $0xC1A, v25;
	v26 =	vsel vm6, $0xC1B, v26  }
0x44: {  	v27 =	vsel vm6, $0xC18, v27;
	v28 =	vsel vm6, $0xC59, v28;
	v29 =	vsel vm6, $0xC5A, v29  }
0x45: {  	v30 =	vsel vm6, $0xC5B, v30;
	v31 =	vsel vm6, $0xC58, v31;
	v3 =	vsel vm0, v6, v3  }
0x46: {  	v5 =	vunpack.c.0.s8.s32 v5;
	v6 =	vunpack.c.0.s8.s32 v7;
	v7 =	vimm.s32 $0x7F7B7773  }
0x47: {  	v13 =	vsel vm15, $0x45E, v13;
	v15 =	vsel vm15, $0x45C, v15;
	v17 =	vsel vm15, $0x81E, v17  }
0x48: {  	v18 =	vsel vm15, $0x81F, v18;
	v20 =	vsel vm15, $0x85D, v20;
	v21 =	vsel vm15, $0x85E, v21  }
0x49: {  	v22 =	vsel vm15, $0x85F, v22;
	v24 =	vsel vm15, $0xC1D, v24;
	v25 =	vsel vm15, $0xC1E, v25  }
0x4a: {  	v26 =	vsel vm15, $0xC1F, v26;
	v27 =	vsel vm15, $0xC1C, v27;
	v28 =	vsel vm15, $0xC5D, v28  }
0x4b: {  	v29 =	vsel vm15, $0xC5E, v29;
	v30 =	vsel vm15, $0xC5F, v30;
	v31 =	vsel vm15, $0xC5C, v31  }
0x4c: {  	v59 =	vcombine.low v3, v4;
	v4 =	vimm.s32 $0xF0B0703;
	v7 =	vunpack.c.0.s8.s32 v7  }
0x4d: {  	v13 =	vsel vm1, $0x463, v13;
	v15 =	vsel vm1, $0x461, v15;
	v17 =	vsel vm1, $0x823, v17  }
0x4e: {  	v18 =	vsel vm1, $0x820, v18;
	v20 =	vsel vm1, $0x862, v20;
	v21 =	vsel vm1, $0x863, v21  }
0x4f: {  	v22 =	vsel vm1, $0x860, v22;
	v24 =	vsel vm1, $0xC22, v24;
	v25 =	vsel vm1, $0xC23, v25  }
0x50: {  	v26 =	vsel vm1, $0xC20, v26;
	v27 =	vsel vm1, $0xC21, v27;
	v28 =	vsel vm1, $0xC62, v28  }
0x51: {  	v29 =	vsel vm1, $0xC63, v29;
	v31 =	vsel vm1, $0xC61, v31;
	v3 =	vsel vm0, v6, v5  }
0x52: {  	v5 =	vimm.s32 $0x1C181410;
	v4 =	vunpack.c.0.s8.s32 v4;
	v6 =	vimm.s32 $0x6E6A6662  }
0x53: {  	v13 =	vsel vm2, $0x467, v13;
	v15 =	vsel vm2, $0x465, v15;
	v17 =	vsel vm2, $0x827, v17  }
0x54: {  	v18 =	vsel vm2, $0x824, v18;
	v20 =	vsel vm2, $0x866, v20;
	v21 =	vsel vm2, $0x867, v21  }
0x55: {  	v22 =	vsel vm2, $0x864, v22;
	v24 =	vsel vm2, $0xC26, v24;
	v25 =	vsel vm2, $0xC27, v25  }
0x56: {  	v26 =	vsel vm2, $0xC24, v26;
	v27 =	vsel vm2, $0xC25, v27;
	v28 =	vsel vm2, $0xC66, v28  }
0x57: {  	v29 =	vsel vm2, $0xC67, v29;
	v31 =	vsel vm2, $0xC65, v31;
	v5 =	vunpack.c.0.s8.s32 v5  }
0x58: {  	v6 =	vunpack.c.0.s8.s32 v6;
	v13 =	vsel vm3, $0x46B, v13;
	v15 =	vsel vm3, $0x469, v15  }
0x59: {  	v17 =	vsel vm3, $0x82B, v17;
	v18 =	vsel vm3, $0x828, v18;
	v20 =	vsel vm3, $0x86A, v20  }
0x5a: {  	v21 =	vsel vm3, $0x86B, v21;
	v22 =	vsel vm3, $0x868, v22;
	v24 =	vsel vm3, $0xC2A, v24  }
0x5b: {  	v25 =	vsel vm3, $0xC2B, v25;
	v26 =	vsel vm3, $0xC28, v26;
	v27 =	vsel vm3, $0xC29, v27  }
0x5c: {  	v28 =	vsel vm3, $0xC6A, v28;
	v31 =	vsel vm3, $0xC69, v31;
	v13 =	vsel vm4, $0x46F, v13  }
0x5d: {  	v15 =	vsel vm4, $0x46D, v15;
	v17 =	vsel vm4, $0x82F, v17;
	v18 =	vsel vm4, $0x82C, v18  }
0x5e: {  	v20 =	vsel vm4, $0x86E, v20;
	v21 =	vsel vm4, $0x86F, v21;
	v22 =	vsel vm4, $0x86C, v22  }
0x5f: {  	v24 =	vsel vm4, $0xC2E, v24;
	v25 =	vsel vm4, $0xC2F, v25;
	v26 =	vsel vm4, $0xC2C, v26  }
0x60: {  	v27 =	vsel vm4, $0xC2D, v27;
	v31 =	vsel vm4, $0xC6D, v31;
	v4 =	vsel vm0, v5, v4  }
0x61: {  	v5 =	vunpack.c.0.s8.s32 v10;
	v10 =	vunpack.c.0.s8.s32 v11;
	v11 =	vimm.s32 $0x5F5B5753  }
0x62: {  	v13 =	vsel vm5, $0x470, v13;
	v15 =	vsel vm5, $0x472, v15;
	v17 =	vsel vm5, $0x830, v17  }
0x63: {  	v18 =	vsel vm5, $0x831, v18;
	v20 =	vsel vm5, $0x873, v20;
	v21 =	vsel vm5, $0x870, v21  }
0x64: {  	v22 =	vsel vm5, $0x871, v22;
	v24 =	vsel vm5, $0xC33, v24;
	v25 =	vsel vm5, $0xC30, v25  }
0x65: {  	v26 =	vsel vm5, $0xC31, v26;
	v63 =	vcombine.low v4, v3;
	v4 =	vsel vm0, v7, v6  }
0x66: {  	v6 =	vsel vm0, v9, v8;
	v7 =	vimm.s32 $0x5E5A5652;
	v8 =	vimm.s32 $0x6C686460  }
0x67: {  	v9 =	vimm.s32 $0x7D797571;
	v13 =	vsel vm7, $0x474, v13;
	v17 =	vsel vm7, $0x834, v17  }
0x68: {  	v18 =	vsel vm7, $0x835, v18;
	v0 =	vcombine.low v6, v4;
	v6 =	vimm.s32 $0x4D494541  }
0x69: {  	v5 =	vsel vm0, v10, v5;
	v7 =	vunpack.c.0.s8.s32 v7;
	v6 =	vunpack.c.0.s8.s32 v6  }
0x6a: {  	v8 =	vunpack.c.0.s8.s32 v8;
	v9 =	vunpack.c.0.s8.s32 v9;
	v10 =	vimm.s32 $0x4E4A4642  }
0x6b: {  	v6 =	vsel vm0, v7, v6;
	v7 =	vunpack.c.0.s8.s32 v10;
	v10 =	vunpack.c.0.s8.s32 v11  }
0x6c: {  	v20 =	vsel vm7, $0x877, v20;
	v11 =	vimm.s32 $0x4F4B4743;
	v1 =	vcombine.low v6, v5  }
0x6d: {  	v6 =	vsel vm0, v9, v8;
	v7 =	vsel vm0, v10, v7;
	v10 =	vimm.s32 $0x43F  }
0x6e: {  	v8 =	vimm.s32 $0x6D696561;
	v9 =	vimm.s32 $0x7E7A7672;
	v10 =	vsel vm14, $0x400, v10  }
0x6f: {  	v8 =	vunpack.c.0.s8.s32 v8;
	v9 =	vunpack.c.0.s8.s32 v9;
	v10 =	vsel vm13, $0x404, v10  }
0x70: {  	v21 =	vsel vm7, $0x874, v21;
	v11 =	vunpack.c.0.s8.s32 v11;
	v10 =	vsel vm12, $0x408, v10  }
0x71: {  	v22 =	vsel vm7, $0x875, v22;
	v8 =	vsel vm0, v9, v8;
	v10 =	vsel vm11, $0x40C, v10  }
0x72: {  	v9 =	vsel vm10, $0x411, v10;
	v10 =	vsel vm0, v12, v11;
	v11 =	vimm.s32 $0x43E  }
0x73: {  	v12 =	vimm.s32 $0x47F;
	v9 =	vsel vm9, $0x415, v9;
	v3 =	vcombine.low v10, v8  }
0x74: {  	v10 =	vimm.s32 $0x43D;
	v11 =	vsel vm14, $0x403, v11;
	v12 =	vsel vm14, $0x440, v12  }
0x75: {  	v8 =	vsel vm6, $0x419, v9;
	v9 =	vimm.s32 $0x43C;
	v10 =	vsel vm14, $0x402, v10  }
0x76: {  	v11 =	vsel vm13, $0x407, v11;
	v12 =	vsel vm13, $0x444, v12;
	v8 =	vsel vm15, $0x41D, v8  }
0x77: {  	v9 =	vsel vm14, $0x401, v9;
	v10 =	vsel vm13, $0x406, v10;
	v11 =	vsel vm12, $0x40B, v11  }
0x78: {  	v12 =	vsel vm12, $0x448, v12;
	v9 =	vsel vm13, $0x405, v9;
	v8 =	vsel vm1, $0x422, v8  }
0x79: {  	v10 =	vsel vm12, $0x40A, v10;
	v11 =	vsel vm11, $0x40F, v11;
	v12 =	vsel vm11, $0x44C, v12  }
0x7a: {  	v9 =	vsel vm12, $0x409, v9;
	v10 =	vsel vm11, $0x40E, v10;
	v8 =	vsel vm2, $0x426, v8  }
0x7b: {  	v11 =	vsel vm10, $0x410, v11;
	v12 =	vsel vm10, $0x451, v12;
	v9 =	vsel vm11, $0x40D, v9  }
0x7c: {  	v10 =	vsel vm10, $0x413, v10;
	v8 =	vsel vm3, $0x42A, v8;
	v9 =	vsel vm10, $0x412, v9  }
0x7d: {  	v11 =	vsel vm9, $0x414, v11;
	v12 =	vsel vm9, $0x455, v12;
	v9 =	vsel vm9, $0x416, v9  }
0x7e: {  	v10 =	vsel vm9, $0x417, v10;
	v8 =	vsel vm4, $0x42E, v8;
	v9 =	vsel vm6, $0x41A, v9  }
0x7f: {  	v11 =	vsel vm6, $0x418, v11;
	v12 =	vsel vm6, $0x459, v12;
	v9 =	vsel vm15, $0x41E, v9  }
0x80: {  	v10 =	vsel vm6, $0x41B, v10;
	v12 =	vsel vm15, $0x45D, v12;
	v9 =	vsel vm1, $0x423, v9  }
0x81: {  	v8 =	vsel vm5, $0x433, v8;
	v12 =	vsel vm1, $0x462, v12;
	v9 =	vsel vm2, $0x427, v9  }
0x82: {  	v11 =	vsel vm15, $0x41C, v11;
	v12 =	vsel vm2, $0x466, v12;
	v9 =	vsel vm3, $0x42B, v9  }
0x83: {  	v10 =	vsel vm15, $0x41F, v10;
	v12 =	vsel vm3, $0x46A, v12;
	v9 =	vsel vm4, $0x42F, v9  }
0x84: {  	v8 =	vsel vm7, $0x437, v8;
	v12 =	vsel vm4, $0x46E, v12;
	v9 =	vsel vm5, $0x430, v9  }
0x85: {  	v11 =	vsel vm1, $0x421, v11;
	v12 =	vsel vm5, $0x473, v12;
	v9 =	vsel vm7, $0x434, v9  }
0x86: {  	v5 =	vsel vm8, $0x438, v9;
	v9 =	vsel vm8, $0x478, v13;
	v13 =	vsel vm8, $0x87B, v20  }
0x87: {  	v4 =	vsel vm8, $0x43B, v8;
	v12 =	vsel vm7, $0x477, v12;
	[tilespmem:$0x1FE20] =	vst v13;
	v13 =	vsel vm8, $0x878, v21  }
0x88: {  	v8 =	vsel vm8, $0x47B, v12;
	v12 =	vsel vm8, $0x838, v17;
	[tilespmem:$0x1FE30] =	vst v13;
	v13 =	vsel vm8, $0x879, v22  }
0x89: {  	s1 =	srdreg.scid;
	v10 =	vsel vm1, $0x420, v10;
	v11 =	vsel vm2, $0x425, v11;
	[tilespmem:$0x1FE00] =	vst v12;
	v12 =	vsel vm8, $0x839, v18  }
0x8a: {  	s0 =	stileid.u32;
	s5 =	rddreg [dreg:$0x1];
	v24 =	vsel vm7, $0xC37, v24;
	v10 =	vsel vm2, $0x424, v10;
	v11 =	vsel vm3, $0x429, v11;
	[tilespmem:$0x1FE10] =	vst v12  }
0x8b: {  	s3 =	simm.s32 $0x0;
	s4 =	sand.u32 $0x1, s1;
	s1 =	rddreg [dreg:$0x0];
	v10 =	vsel vm3, $0x428, v10;
	v11 =	vsel vm4, $0x42D, v11;
	[tilespmem:$0x1FE40] =	vst v13;
	v13 =	vmovc v1;
	v1 =	vsel vm8, $0xC3B, v24  }
0x8c: {  	s2 =	sshll.u32 s0, $0x1;
	[smem:$0x7FF] =	sst s3;
	v27 =	vsel vm5, $0xC32, v27;
	v10 =	vsel vm4, $0x42C, v10;
	v11 =	vsel vm5, $0x432, v11;
	[tilespmem:$0x1FE50] =	vst v1  }
0x8d: {  	s23 =	sor.u32 s4, s2;
	s2 =	rddreg [dreg:$0x2];
	v15 =	vsel vm7, $0x476, v15;
	v10 =	vsel vm5, $0x431, v10;
	v11 =	vsel vm7, $0x436, v11;
	_ =	strace $0x80000047;
	[tilespmem:$0x1FE60] =	vst v63  }
0x8e: {  	v2 =	vcombine.low v7, v6;
	v10 =	vsel vm7, $0x435, v10;
	v7 =	vsel vm8, $0x43A, v11;
	[tilespmem:$0x1FE70] =	vst v3  }
0x8f: {  	v26 =	vsel vm7, $0xC35, v26;
	v6 =	vsel vm8, $0x439, v10;
	v10 =	vsel vm8, $0x47A, v15;
	[tilespmem:$0x1FE80] =	vst v7  }
0x90: {  	v25 =	vsel vm7, $0xC34, v25;
	v27 =	vsel vm7, $0xC36, v27;
	v24 =	vsel vm8, $0xC39, v26;
	[tilespmem:$0x1FE90] =	vst v10  }
0x91: {  	v29 =	vsel vm3, $0xC6B, v29;
	v31 =	vsel vm5, $0xC72, v31;
	v18 =	vmovc v2;
	v2 =	vsel vm8, $0xC3A, v27;
	[tilespmem:$0x1FEA0] =	vst v24  }
0x92: {  	v28 =	vsel vm4, $0xC6E, v28;
	v29 =	vsel vm4, $0xC6F, v29;
	v31 =	vsel vm7, $0xC76, v31;
	[tilespmem:$0x1FEB0] =	vst v2  }
0x93: {  	v28 =	vsel vm5, $0xC73, v28;
	v57 =	vsel vm8, $0xC38, v25;
	v25 =	vmovc v13;
	v13 =	vsel vm8, $0xC7A, v31;
	[tilespmem:$0x1FEC0] =	vst v54  }
0x94: {  	v30 =	vsel vm1, $0xC60, v30;
	v29 =	vsel vm5, $0xC70, v29;
	v28 =	vsel vm7, $0xC77, v28;
	[tilespmem:$0x1FED0] =	vst v13  }
0x95: {  	v30 =	vsel vm2, $0xC64, v30;
	v29 =	vsel vm7, $0xC74, v29;
	v58 =	vsel vm8, $0xC7B, v28;
	[tilespmem:$0x1FEE0] =	vst v55  }
0x96: {  	v14 =	vsel vm6, $0x45B, v14;
	v30 =	vsel vm3, $0xC68, v30;
	v60 =	vsel vm8, $0xC78, v29;
	[tilespmem:$0x1FEF0] =	vst v58  }
0x97: {  	v16 =	vsel vm6, $0x819, v16;
	v19 =	vsel vm6, $0x818, v19;
	v30 =	vsel vm4, $0xC6C, v30;
	[tilespmem:$0x1FF00] =	vst v60  }
0x98: {  	v23 =	vsel vm6, $0x858, v23;
	v16 =	vsel vm15, $0x81D, v16;
	v30 =	vsel vm5, $0xC71, v30;
	[tilespmem:$0x1FF10] =	vst v5  }
0x99: {  	v14 =	vsel vm15, $0x45F, v14;
	v16 =	vsel vm1, $0x822, v16;
	v30 =	vsel vm7, $0xC75, v30;
	[tilespmem:$0x1FF20] =	vst v6  }
0x9a: {  	v19 =	vsel vm15, $0x81C, v19;
	v16 =	vsel vm2, $0x826, v16;
	v61 =	vsel vm8, $0xC79, v30;
	[tilespmem:$0x1FF30] =	vst v8  }
0x9b: {  	v23 =	vsel vm15, $0x85C, v23;
	v14 =	vsel vm1, $0x460, v14;
	v16 =	vsel vm3, $0x82A, v16;
	[tilespmem:$0x1FF40] =	vst v61  }
0x9c: {  	s17 =	simm.s32 $0x3000;
	s18 =	simm.s32 $0x1;
	s19 =	simm.s32 $0x6000;
	v19 =	vsel vm1, $0x821, v19;
	v23 =	vsel vm1, $0x861, v23;
	v16 =	vsel vm4, $0x82E, v16;
	[tilespmem:$0x1FF50] =	vst v18  }
0x9d: {  	s20 =	simm.s32 $0x2;
	s21 =	simm.s32 $0x6C00;
	s22 =	simm.s32 $0x3;
	v14 =	vsel vm2, $0x464, v14;
	v19 =	vsel vm2, $0x825, v19;
	v16 =	vsel vm5, $0x833, v16;
	[tilespmem:$0x1FF60] =	vst v25  }
0x9e: {  	s24 =	simm.s32 $0x0;
	s29 =	ssub.s32 $0x2, s4;
	s6 =	smul.u32 $0x3A, s23;
	v23 =	vsel vm2, $0x865, v23;
	v19 =	vsel vm3, $0x829, v19;
	v16 =	vsel vm7, $0x837, v16;
	v15 =	vmovc v0;
	[tilespmem:$0x1FF70] =	vst v9  }
0x9f: {  	s4 =	sadd.s32 $0x600, s5;
	s7 =	smin.u32 s23, $0x13;
	s30 =	sshrl.u32 s29, $0x1;
	v23 =	vsel vm3, $0x869, v23;
	v19 =	vsel vm4, $0x82D, v19;
	v16 =	vsel vm8, $0x83B, v16;
	[tilespmem:$0x1FF80] =	vst v15  }
0xa0: {  	p0 =	sgt.u32 s23, $0x12;
	s16 =	ssub.s32 s29, s30;
	s6 =	sadd.s32 s7, s6;
	v14 =	vsel vm3, $0x468, v14;
	v23 =	vsel vm4, $0x86D, v23;
	v19 =	vsel vm5, $0x832, v19;
	[tilespmem:$0x1FF90] =	vst v16  }
0xa1: {  	s23 =	simm.s32 $0x4;
	s16 =	smax.u32 s16, $0x1;
	s8 =	sshll.u32 s6, $0x9;
	v14 =	vsel vm4, $0x46C, v14;
	v23 =	vsel vm5, $0x872, v23;
	v19 =	vsel vm7, $0x836, v19;
	[tilespmem:$0x1FFA0] =	vst v59  }
.Ltmp0:
0xa2: {  	s31 =	sshll.u32 s6, $0x7;
	s6 =	sshll.u32 s6, $0x3;
	v14 =	vsel vm5, $0x471, v14;
	v23 =	vsel vm7, $0x876, v23;
	v19 =	vsel vm8, $0x83A, v19;
	[tilespmem:$0x1FFB0] =	vst v4;
	(pc) =	sbr.rel .LBB2_1-.Ltmp0, $4  }
0xa3: {  	s14 =	sadd.s32 s1, s8;
	s8 =	sadd.s32 $0x14C38, s6;
	s9 =	sadd.s32 $0x14C50, s6;
	v14 =	vsel vm7, $0x475, v14;
	v0 =	vsel vm8, $0x87A, v23;
	[tilespmem:$0x1FFC0] =	vst v19  }
0xa4: {  	s15 =	sadd.s32 s4, s31;
	s5 =	sadd.s32 $0x530200, s14;
	s7 =	sadd.s32 $0x530800, s14;
	v62 =	vsel vm8, $0x479, v14;
	[tilespmem:$0x1FFD0] =	vst v0  }
0xa5: {  	s11 =	sadd.s32 $0x18, s6;
	s10 =	sadd.s32 $0x1B00, s15;
	s12 =	sadd.s32 $0x537400, s14;
	[tilespmem:$0x1FFE0] =	vst v62  }
0xa6: {  	s13 =	sadd.s32 $0x1C80, s15;
	s14 =	sadd.s32 $0x537600, s14;
	s15 =	sadd.s32 $0x1D00, s15;
	v17 =	vmov v4;
	v30 =	vmov v9;
	v22 =	vmov v5;
	[tilespmem:$0x1FFF0] =	vst v57  }
.LBB2_16:
0xa7: {  	_ =	swait.ge [sflag:s23], $0xC00  }
0xa8: {  	v10 =	vld [tilespmem:$0x1FE90]  }
0xa9: {  	v24 =	vld [tilespmem:$0x1FEA0]  }
0xaa: {  	v2 =	vld [tilespmem:$0x1FEB0]  }
0xab: {  	s24 =	sadd.s32 $0x1, s24;
	v13 =	vld [tilespmem:$0x1FED0]  }
0xac: {  	p1 =	sne.s32 s24, s16;
	v22 =	vld [tilespmem:$0x1FF10]  }
.Ltmp1:
0xad: {  	v6 =	vld [tilespmem:$0x1FF20];
	(pc) =	sbr.rel @!p1 .LBB2_17-.Ltmp1, $4  }
0xae: {  	v8 =	vld [tilespmem:$0x1FF30]  }
0xaf: {  	v18 =	vld [tilespmem:$0x1FF50]  }
0xb0: {  	[sflag:s23] =	ssyncset.done $0x0;
	v25 =	vld [tilespmem:$0x1FF60]  }
0xb1: {  	v17 =	vmov v31;
	v0 =	vmov v27;
	v19 =	vmov v56;
	v30 =	vld [tilespmem:$0x1FF70];
	[sflag:s23] =	ssyncadd.s32 $0xFFFFF400  }
.LBB2_1:
0xb2: {  	[tilespmem:s3], [sflag:$0x1] =	stream.linear.gather [hbm4b:s5+s3], $0x3000, $0x38;
	[tilespmem:$0x7800] =	vst v63  }
0xb3: {  	s25 =	simm.s32 $0x0  }
0xb4: {  	[tilespmem:s17], [sflag:$0x2] =	stream.linear.gather [hbm4b:s7+s3], $0x3000, $0x38;
	[tilespmem:$0x7800] =	vst v63  }
.LBB2_2:
0xb5: {  	s26 =	simm.s32 $0x0;
	p1 =	seq.s32 s25, $0x0  }
0xb6: {  	v32 =	vmov s26;
	s26 =	simm.s32 @!p1 $0x3  }
0xb7: {  	_ =	swait.ge @!p1 [sflag:s26], $0xC00  }
0xb8: {  	v33 =	vshll.u32 v32, $0x9;
	v32 =	vshll.u32 v32, $0x7;
	[sflag:s26] =	ssyncset.done @!p1 $0x0  }
0xb9: {  	v33 =	vand.u32 $0x3000, v33;
	v32 =	vand.u32 $0x380, v32;
	[sflag:s26] =	ssyncadd.s32 @!p1 $0xFFFFF400  }
0xba: {  	v32 =	vor.u32 v32, v33;
	_ =	swait.ge [sflag:s18], $0x3000  }
0xbb: {  	v33 =	vor.u32 v58, v32;
	v1 =	vld [tilespmem:$0x1FE00]  }
0xbc: {  	v34 =	vor.u32 v60, v32;
	v63 =	vld [tilespmem:$0x1FE20]  }
0xbd: {  	v35 =	vor.u32 v54, v32;
	v5 =	vld [tilespmem:$0x1FE30]  }
0xbe: {  	v26 =	vmov v60;
	v36 =	vor.u32 v61, v32;
	v60 =	vor.u32 v6, v32;
	[sflag:s18] =	ssyncset.done $0x0;
	v6 =	vld [tilespmem:$0x1FE40]  }
0xbf: {  	v31 =	vmov v8;
	v37 =	vor.u32 v55, v32;
	v11 =	vor.u32 v8, v32;
	v8 =	vld [tilespmem:$0x1FE70];
	[sflag:s18] =	ssyncadd.s32 $0xFFFFD000  }
0xc0: {  	v38 =	vor.u32 v13, v32;
	v33 =	vld.idx.msk [tilespmem:v33+s3+$0x0], $0xffff  }
0xc1: {  	v39 =	vor.u32 v15, v32;
	v34 =	vld.idx.msk [tilespmem:v34+s3+$0x0], $0xffff  }
0xc2: {  	v40 =	vor.u32 v25, v32;
	v42 =	vld.idx.msk [tilespmem:v35+s3+$0x0], $0xffff  }
0xc3: {  	v7 =	vor.u32 v17, v32;
	v43 =	vld.idx.msk [tilespmem:v36+s3+$0x0], $0xffff  }
0xc4: {  	v9 =	vor.u32 v22, v32;
	v44 =	vld.idx.msk [tilespmem:v37+s3+$0x0], $0xffff  }
0xc5: {  	v45 =	vld.idx.msk [tilespmem:v38+s3+$0x0], $0xffff  }
0xc6: {  	v39 =	vld.idx.msk [tilespmem:v39+s3+$0x0], $0xffff  }
0xc7: {  	v41 =	vor.u32 v16, v32;
	v47 =	vld.idx.msk [tilespmem:v40+s3+$0x0], $0xffff  }
0xc8: {  	v46 =	vor.u32 v57, v32;
	v48 =	vld.idx.msk [tilespmem:v7+s3+$0x0], $0xffff  }
0xc9: {  	v29 =	vmov v54;
	v51 =	vor.u32 v59, v32;
	v54 =	vld.idx.msk [tilespmem:v9+s3+$0x0], $0xffff  }
0xca: {  	v55 =	vld.idx.msk [tilespmem:v11+s3+$0x0], $0xffff  }
0xcb: {  	v38 =	vor.u32 v30, v32;
	v9 =	vld [tilespmem:$0x1FE50]  }
0xcc: {  	v57 =	vld.idx.msk [tilespmem:v41+s3+$0x0], $0xffff  }
0xcd: {  	v50 =	vld.idx.msk [tilespmem:v46+s3+$0x0], $0xffff;
	v4 =	vor.u32 v63, v32  }
0xce: {  	v53 =	vld.idx.msk [tilespmem:v51+s3+$0x0], $0xffff;
	v7 =	vor.u32 v5, v32  }
0xcf: {  	v5 =	vld [tilespmem:$0x1FE10]  }
0xd0: {  	v40 =	vor.u32 v1, v32;
	v56 =	vld.idx.msk [tilespmem:v38+s3+$0x0], $0xffff  }
0xd1: {  	v52 =	vor.u32 v18, v32;
	v11 =	vor.u32 v9, v32;
	v9 =	vld [tilespmem:$0x1FE80]  }
0xd2: {  	v59 =	vld.idx.msk [tilespmem:v4+s3+$0x0], $0xffff  }
0xd3: {  	v21 =	vmovc v58;
	v20 =	vmov v61;
	v28 =	vmov v17;
	v27 =	vmov v25;
	v4 =	vld.idx.msk [tilespmem:v7+s3+$0x0], $0xffff  }
0xd4: {  	v62 =	vor.u32 v62, v32;
	v25 =	vmovc v15;
	v41 =	vor.u32 v24, v32;
	v33 =	vadd.f32 v34, v33;
	v7 =	vld [tilespmem:$0x1FE60]  }
0xd5: {  	v35 =	vor.u32 v10, v32;
	v36 =	vor.u32 v8, v32;
	v58 =	vld.idx.msk [tilespmem:v40+s3+$0x0], $0xffff;
	v63 =	vor.u32 v5, v32  }
0xd6: {  	v51 =	vld.idx.msk [tilespmem:v52+s3+$0x0], $0xffff;
	v46 =	vadd.f32 v44, v42;
	v40 =	vor.u32 v6, v32;
	v43 =	vadd.f32 v43, v33  }
0xd7: {  	v52 =	vld.idx.msk [tilespmem:v60+s3+$0x0], $0xffff;
	v34 =	vor.u32 v19, v32;
	v47 =	vadd.f32 v47, v39;
	v48 =	vadd.f32 v54, v48  }
0xd8: {  	v33 =	vor.u32 v0, v32;
	v49 =	vld.idx.msk [tilespmem:v11+s3+$0x0], $0xffff;
	v37 =	vor.u32 v9, v32;
	v11 =	vadd.f32 v45, v43  }
0xd9: {  	s26 =	simm.s32 $0x6040;
	v44 =	vld.idx.msk [tilespmem:v62+s3+$0x0], $0xffff;
	v39 =	vadd.f32 v56, v55;
	v38 =	vor.u32 v7, v32;
	v32 =	vor.u32 v2, v32  }
0xda: {  	s29 =	simm.s32 $0x0;
	s30 =	simm.s32 $0x1;
	s28 =	simm.s32 $0x6040;
	v19 =	vmov v16;
	v42 =	vadd.f32 v58, v57;
	v43 =	vadd.f32 v4, v59;
	v45 =	vld.idx.msk [tilespmem:v63+s3+$0x0], $0xffff;
	[tilespmem:s26+$0x30] =	vst v11  }
.LBB2_3:
0xdb: {  	v55 =	vld.idx.msk [tilespmem:v40+s3+$0x0], $0xffff  }
0xdc: {  	v0 =	vld [tilespmem:$0x1FEE0]  }
0xdd: {  	v56 =	vld.idx.msk [tilespmem:v37+s3+$0x0], $0xffff  }
0xde: {  	v59 =	vld.idx.msk [tilespmem:v35+s3+$0x0], $0xffff  }
0xdf: {  	v63 =	vld.idx.msk [tilespmem:v34+s3+$0x0], $0xffff  }
0xe0: {  	v2 =	vld.idx.msk [tilespmem:v33+s3+$0x0], $0xffff  }
0xe1: {  	v3 =	vld [tilespmem:$0x1FE00]  }
0xe2: {  	v4 =	vld [tilespmem:$0x1FE20]  }
0xe3: {  	v5 =	vld [tilespmem:$0x1FE30]  }
0xe4: {  	v6 =	vld.idx.msk [tilespmem:v32+s3+$0x0], $0xffff  }
0xe5: {  	v7 =	vld [tilespmem:$0x1FE50]  }
0xe6: {  	v8 =	vld [tilespmem:$0x1FFF0]  }
0xe7: {  	v12 =	vld [tilespmem:$0x1FF50]  }
0xe8: {  	v16 =	vld [tilespmem:$0x1FFE0]  }
0xe9: {  	v54 =	vmov s30;
	v17 =	vld [tilespmem:$0x1FE10]  }
0xea: {  	v18 =	vld [tilespmem:$0x1FE40];
	v9 =	vshll.u32 v54, $0x9;
	v10 =	vshll.u32 v54, $0x7  }
0xeb: {  	v23 =	vld [tilespmem:$0x1FE80];
	v40 =	vand.u32 $0x3000, v9;
	v11 =	vand.u32 $0x380, v10  }
0xec: {  	v54 =	vld.idx.msk [tilespmem:v36+s3+$0x0], $0xffff;
	v47 =	vadd.f32 v51, v47;
	v51 =	vor.u32 v11, v40  }
0xed: {  	v46 =	vadd.f32 v53, v46;
	v53 =	vld.idx.msk [tilespmem:v41+s3+$0x0], $0xffff;
	v40 =	vor.u32 v21, v51  }
0xee: {  	v49 =	vadd.f32 v50, v49;
	v50 =	vld.idx.msk [tilespmem:v38+s3+$0x0], $0xffff;
	v41 =	vor.u32 v26, v51  }
0xef: {  	v11 =	vld [tilespmem:$0x1FFA0];
	v36 =	vor.u32 v29, v51  }
0xf0: {  	v10 =	vor.u32 v13, v51;
	v13 =	vld [tilespmem:$0x1FF20]  }
0xf1: {  	v48 =	vadd.f32 v52, v48;
	v52 =	vor.u32 v0, v51;
	v37 =	vor.u32 v23, v51;
	v23 =	vld [tilespmem:$0x1FE90]  }
0xf2: {  	v9 =	vld.idx.msk [tilespmem:v40+s3+$0x0], $0xffff  }
0xf3: {  	v14 =	vld.idx.msk [tilespmem:v41+s3+$0x0], $0xffff  }
0xf4: {  	v57 =	vor.u32 v25, v51;
	v15 =	vld.idx.msk [tilespmem:v36+s3+$0x0], $0xffff  }
0xf5: {  	v58 =	vor.u32 v27, v51;
	v40 =	vor.u32 v18, v51;
	v18 =	vld [tilespmem:$0x1FE60]  }
0xf6: {  	v60 =	vor.u32 v28, v51;
	v52 =	vld.idx.msk [tilespmem:v52+s3+$0x0], $0xffff  }
0xf7: {  	v61 =	vor.u32 v22, v51;
	v35 =	vor.u32 v23, v51;
	v23 =	vld [tilespmem:$0x1FFC0]  }
0xf8: {  	v0 =	vor.u32 v30, v51;
	v10 =	vld.idx.msk [tilespmem:v10+s3+$0x0], $0xffff  }
0xf9: {  	v57 =	vld.idx.msk [tilespmem:v57+s3+$0x0], $0xffff  }
0xfa: {  	v1 =	vor.u32 v19, v51;
	v58 =	vld.idx.msk [tilespmem:v58+s3+$0x0], $0xffff  }
0xfb: {  	v3 =	vor.u32 v3, v51;
	v60 =	vld.idx.msk [tilespmem:v60+s3+$0x0], $0xffff  }
0xfc: {  	v4 =	vor.u32 v4, v51;
	v61 =	vld.idx.msk [tilespmem:v61+s3+$0x0], $0xffff  }
0xfd: {  	v5 =	vor.u32 v5, v51;
	v0 =	vld.idx.msk [tilespmem:v0+s3+$0x0], $0xffff  }
0xfe: {  	v34 =	vor.u32 v20, v51;
	v38 =	vor.u32 v18, v51;
	v18 =	vld [tilespmem:$0x1FE70]  }
0xff: {  	v1 =	vld.idx.msk [tilespmem:v1+s3+$0x0], $0xffff  }
0x100: {  	v42 =	vadd.f32 v45, v42;
	v8 =	vor.u32 v8, v51;
	v3 =	vld.idx.msk [tilespmem:v3+s3+$0x0], $0xffff  }
0x101: {  	v17 =	vor.u32 v17, v51;
	v4 =	vld.idx.msk [tilespmem:v4+s3+$0x0], $0xffff  }
0x102: {  	v62 =	vor.u32 v31, v51;
	v63 =	vadd.f32 v63, v42;
	v5 =	vld.idx.msk [tilespmem:v5+s3+$0x0], $0xffff  }
0x103: {  	v7 =	vor.u32 v7, v51;
	v50 =	vadd.f32 v50, v46;
	v36 =	vor.u32 v18, v51;
	v18 =	vld.idx.msk [tilespmem:v34+s3+$0x0], $0xffff  }
0x104: {  	[tilespmem:s28+$0x0] =	vst v63;
	v34 =	vor.u32 v23, v51;
	v23 =	vld [tilespmem:$0x1FFD0]  }
0x105: {  	v39 =	vadd.f32 v44, v39;
	v11 =	vor.u32 v11, v51;
	[tilespmem:s26+$0xFFFFFFC0] =	vst v50;
	v50 =	vld.idx.msk [tilespmem:v8+s3+$0x0], $0xffff  }
0x106: {  	v16 =	vor.u32 v16, v51;
	v43 =	vadd.f32 v55, v43;
	v47 =	vadd.f32 v54, v47;
	v45 =	vld.idx.msk [tilespmem:v17+s3+$0x0], $0xffff  }
0x107: {  	v13 =	vor.u32 v13, v51;
	v9 =	vadd.f32 v14, v9;
	v46 =	vadd.f32 v52, v15;
	v15 =	vld.idx.msk [tilespmem:v62+s3+$0x0], $0xffff  }
0x108: {  	s29 =	sadd.s32 $0x8, s29;
	v12 =	vor.u32 v12, v51;
	v39 =	vadd.f32 v59, v39;
	v14 =	vadd.f32 v53, v49;
	v49 =	vld.idx.msk [tilespmem:v7+s3+$0x0], $0xffff  }
0x109: {  	p2 =	slt.u32 s29, $0xB8;
	[tilespmem:s26+$0xFFFFFFD0] =	vst v47;
	v33 =	vor.u32 v23, v51;
	v23 =	vld [tilespmem:$0x1FEB0];
	v9 =	vadd.f32 v18, v9;
	v18 =	vadd.f32 v56, v48  }
.Ltmp2:
0x10a: {  	v2 =	vadd.f32 v2, v43;
	[tilespmem:s28+$0xFFFFFFF0] =	vst v39;
	v53 =	vld.idx.msk [tilespmem:v11+s3+$0x0], $0xffff;
	(pc) =	sbr.rel @p2 .LBB2_3-.Ltmp2, $4  }
0x10b: {  	v47 =	vadd.f32 v58, v57;
	v44 =	vld.idx.msk [tilespmem:v16+s3+$0x0], $0xffff;
	v6 =	vadd.f32 v6, v14;
	[tilespmem:s28+$0xFFFFFFE0] =	vst v18  }
0x10c: {  	[tilespmem:s28+$0x10] =	vst v2;
	v42 =	vadd.f32 v3, v1;
	v9 =	vadd.f32 v10, v9;
	v52 =	vld.idx.msk [tilespmem:v13+s3+$0x0], $0xffff  }
0x10d: {  	v41 =	vor.u32 v24, v51;
	s26 =	sadd.s32 $0x80, s26;
	v43 =	vadd.f32 v5, v4;
	[tilespmem:s28+$0x20] =	vst v6;
	v39 =	vadd.f32 v0, v15;
	v13 =	vld [tilespmem:$0x1FED0]  }
0x10e: {  	s30 =	sadd.s32 $0x1, s30;
	v48 =	vadd.f32 v61, v60;
	s28 =	smov.u32 s26;
	[tilespmem:s26+$0x30] =	vst v9;
	v32 =	vor.u32 v23, v51;
	v51 =	vld.idx.msk [tilespmem:v12+s3+$0x0], $0xffff  }
0x10f: {  	_ =	sdelay $0x3  }
0x110: {  	v0 =	vld.idx.msk [tilespmem:v40+s3+$0x0], $0xffff  }
0x111: {  	v1 =	vld.idx.msk [tilespmem:v41+s3+$0x0], $0xffff  }
0x112: {  	v2 =	vld.idx.msk [tilespmem:v38+s3+$0x0], $0xffff  }
0x113: {  	v4 =	vld.idx.msk [tilespmem:v37+s3+$0x0], $0xffff  }
0x114: {  	v3 =	vld.idx.msk [tilespmem:v36+s3+$0x0], $0xffff  }
0x115: {  	v5 =	vadd.f32 v53, v46;
	v6 =	vld.idx.msk [tilespmem:v35+s3+$0x0], $0xffff  }
0x116: {  	v7 =	vadd.f32 v50, v49;
	v9 =	vld.idx.msk [tilespmem:v34+s3+$0x0], $0xffff;
	v10 =	vadd.f32 v52, v48  }
0x117: {  	v11 =	vld.idx.msk [tilespmem:v33+s3+$0x0], $0xffff;
	v8 =	vadd.f32 v51, v47;
	v2 =	vadd.f32 v2, v5  }
0x118: {  	v35 =	vld.idx.msk [tilespmem:v32+s3+$0x0], $0xffff;
	v12 =	vadd.f32 v44, v39;
	v4 =	vadd.f32 v4, v10  }
0x119: {  	v36 =	vadd.f32 v45, v42;
	v3 =	vadd.f32 v3, v8;
	[tilespmem:s26+$0xFFFFFFC0] =	vst v2  }
0x11a: {  	v0 =	vadd.f32 v0, v43;
	v37 =	vadd.f32 v6, v12;
	[tilespmem:s28+$0xFFFFFFE0] =	vst v4  }
0x11b: {  	v1 =	vadd.f32 v1, v7;
	v38 =	vadd.f32 v9, v36;
	[tilespmem:s26+$0xFFFFFFD0] =	vst v3;
	s26 =	smul.u32 $0x30, s25  }
0x11c: {  	v0 =	vadd.f32 v11, v0;
	[tilespmem:s28+$0xFFFFFFF0] =	vst v37  }
0x11d: {  	v1 =	vadd.f32 v35, v1;
	[tilespmem:s28+$0x0] =	vst v38;
	s29 =	sadd.s32 s6, s26  }
0x11e: {  	[tilespmem:s28+$0x10] =	vst v0;
	s29 =	sshll.u32 s29, $0x4  }
0x11f: {  	[tilespmem:s28+$0x20] =	vst v1;
	s28 =	sadd.s32 s4, s29  }
0x120: {  	[hbm4b:s28+s3] =	stream.linear.scatter [tilespmem:s19], [sflag:$0x3], $0xC00, $0x38;
	[tilespmem:$0x7800] =	vst v63  }
0x121: {  	s28 =	sadd.s32 s26, s8  }
0x122: {  	s28 =	sshll.u32 s28, $0x6  }
0x123: {  	s28 =	sadd.s32 s1, s28  }
0x124: {  	[tilespmem:s3], [sflag:$0x1] =	stream.linear.gather [hbm4b:s28+s3], $0x3000, $0x38;
	[tilespmem:$0x7800] =	vst v63  }
0x125: {  	s28 =	simm.s32 @!p1 $0x4  }
0x126: {  	_ =	swait.ge @!p1 [sflag:s28], $0xC00  }
0x127: {  	[sflag:s28] =	ssyncset.done @!p1 $0x0  }
0x128: {  	[sflag:s28] =	ssyncadd.s32 @!p1 $0xFFFFF400  }
0x129: {  	_ =	swait.ge [sflag:s20], $0x3000  }
0x12a: {  	v55 =	vld [tilespmem:$0x1FEE0]  }
0x12b: {  	v14 =	vld [tilespmem:$0x1FE00]  }
0x12c: {  	s29 =	simm.s32 $0x0;
	v15 =	vld [tilespmem:$0x1FE20]  }
0x12d: {  	v39 =	vmov s29;
	v16 =	vld [tilespmem:$0x1FE30]  }
0x12e: {  	v40 =	vshll.u32 v39, $0x9;
	v0 =	vshll.u32 v39, $0x7;
	v17 =	vld [tilespmem:$0x1FE50]  }
0x12f: {  	v1 =	vand.u32 $0x3000, v40;
	v0 =	vand.u32 $0x380, v0;
	v57 =	vld [tilespmem:$0x1FFF0]  }
0x130: {  	v0 =	vor.u32 v0, v1;
	v59 =	vld [tilespmem:$0x1FFA0]  }
0x131: {  	v61 =	vmov v20;
	v43 =	vor.u32 v20, v0;
	v20 =	vld [tilespmem:$0x1FF50]  }
0x132: {  	v1 =	vor.u32 v21, v0;
	v52 =	vor.u32 v19, v0;
	v19 =	vld [tilespmem:$0x1FF20]  }
0x133: {  	v41 =	vor.u32 v26, v0;
	v62 =	vld [tilespmem:$0x1FFE0]  }
0x134: {  	v42 =	vor.u32 v29, v0;
	v23 =	vld [tilespmem:$0x1FE10]  }
0x135: {  	[sflag:s20] =	ssyncset.done $0x0;
	v63 =	vld [tilespmem:$0x1FE60]  }
0x136: {  	v60 =	vmov v26;
	v45 =	vor.u32 v13, v0;
	v26 =	vld [tilespmem:$0x1FE80];
	[sflag:s20] =	ssyncadd.s32 $0xFFFFD000  }
0x137: {  	v46 =	vor.u32 v25, v0;
	v1 =	vld.idx.msk [tilespmem:v1+s17+$0x0], $0xffff  }
0x138: {  	v47 =	vor.u32 v27, v0;
	v2 =	vld.idx.msk [tilespmem:v41+s17+$0x0], $0xffff  }
0x139: {  	v48 =	vor.u32 v28, v0;
	v3 =	vld.idx.msk [tilespmem:v42+s17+$0x0], $0xffff  }
0x13a: {  	v49 =	vor.u32 v22, v0;
	v4 =	vld.idx.msk [tilespmem:v43+s17+$0x0], $0xffff  }
0x13b: {  	v50 =	vor.u32 v31, v0;
	v6 =	vld.idx.msk [tilespmem:v45+s17+$0x0], $0xffff  }
0x13c: {  	v51 =	vor.u32 v30, v0;
	v7 =	vld.idx.msk [tilespmem:v46+s17+$0x0], $0xffff  }
0x13d: {  	v8 =	vld.idx.msk [tilespmem:v47+s17+$0x0], $0xffff  }
0x13e: {  	v9 =	vld.idx.msk [tilespmem:v48+s17+$0x0], $0xffff  }
0x13f: {  	v10 =	vld.idx.msk [tilespmem:v49+s17+$0x0], $0xffff  }
0x140: {  	v11 =	vld.idx.msk [tilespmem:v50+s17+$0x0], $0xffff  }
0x141: {  	v12 =	vld.idx.msk [tilespmem:v51+s17+$0x0], $0xffff  }
0x142: {  	v13 =	vld.idx.msk [tilespmem:v52+s17+$0x0], $0xffff;
	v44 =	vor.u32 v55, v0  }
0x143: {  	v47 =	vld [tilespmem:$0x1FE40];
	v14 =	vor.u32 v14, v0  }
0x144: {  	v48 =	vld [tilespmem:$0x1FE90];
	v15 =	vor.u32 v15, v0  }
0x145: {  	v51 =	vld [tilespmem:$0x1FFC0];
	v16 =	vor.u32 v16, v0  }
0x146: {  	v52 =	vld [tilespmem:$0x1FFD0];
	v17 =	vor.u32 v17, v0  }
0x147: {  	v5 =	vld.idx.msk [tilespmem:v44+s17+$0x0], $0xffff  }
0x148: {  	v33 =	vor.u32 v20, v0;
	v14 =	vld.idx.msk [tilespmem:v14+s17+$0x0], $0xffff  }
0x149: {  	v56 =	vor.u32 v19, v0;
	v15 =	vld.idx.msk [tilespmem:v15+s17+$0x0], $0xffff  }
0x14a: {  	v16 =	vld.idx.msk [tilespmem:v16+s17+$0x0], $0xffff  }
0x14b: {  	v18 =	vor.u32 v57, v0;
	v49 =	vld.idx.msk [tilespmem:v17+s17+$0x0], $0xffff  }
0x14c: {  	v53 =	vor.u32 v59, v0;
	v17 =	vld [tilespmem:$0x1FE70]  }
0x14d: {  	v42 =	vor.u32 v62, v0;
	v34 =	vor.u32 v51, v0;
	v51 =	vld.idx.msk [tilespmem:v33+s17+$0x0], $0xffff  }
0x14e: {  	v45 =	vor.u32 v23, v0;
	v1 =	vadd.f32 v2, v1;
	v33 =	vor.u32 v52, v0;
	v52 =	vld.idx.msk [tilespmem:v56+s17+$0x0], $0xffff  }
0x14f: {  	v58 =	vmovc v21;
	v54 =	vmovc v29;
	v21 =	vmov v25;
	v25 =	vmov v27;
	v29 =	vmov v30;
	v56 =	vld [tilespmem:$0x1FEB0]  }
0x150: {  	v30 =	vmovc v31;
	v27 =	vmov v21;
	v41 =	vor.u32 v24, v0;
	v1 =	vadd.f32 v4, v1;
	v50 =	vld.idx.msk [tilespmem:v18+s17+$0x0], $0xffff  }
0x151: {  	v38 =	vor.u32 v63, v0;
	v37 =	vor.u32 v26, v0;
	v40 =	vor.u32 v47, v0;
	v53 =	vld.idx.msk [tilespmem:v53+s17+$0x0], $0xffff  }
0x152: {  	v23 =	vmovc v24;
	v24 =	vmov v29;
	v47 =	vadd.f32 v8, v7;
	v44 =	vld.idx.msk [tilespmem:v42+s17+$0x0], $0xffff;
	v1 =	vadd.f32 v6, v1  }
0x153: {  	s28 =	simm.s32 $0x6C40;
	v35 =	vor.u32 v48, v0;
	v48 =	vadd.f32 v10, v9;
	v39 =	vadd.f32 v12, v11;
	v45 =	vld.idx.msk [tilespmem:v45+s17+$0x0], $0xffff  }
0x154: {  	[tilespmem:s28+$0x30] =	vst v1;
	v36 =	vor.u32 v17, v0;
	v46 =	vadd.f32 v5, v3;
	v32 =	vor.u32 v56, v0  }
0x155: {  	s30 =	simm.s32 $0x0;
	s31 =	simm.s32 $0x1;
	s29 =	simm.s32 $0x6C40;
	v42 =	vadd.f32 v14, v13;
	v43 =	vadd.f32 v16, v15;
	v21 =	vmovc v17;
	v17 =	vmovc v28;
	v28 =	vmov v22  }
.LBB2_5:
0x156: {  	v1 =	vld.idx.msk [tilespmem:v40+s17+$0x0], $0xffff  }
0x157: {  	v5 =	vld.idx.msk [tilespmem:v41+s17+$0x0], $0xffff  }
0x158: {  	v6 =	vld.idx.msk [tilespmem:v38+s17+$0x0], $0xffff  }
0x159: {  	v12 =	vld.idx.msk [tilespmem:v37+s17+$0x0], $0xffff  }
0x15a: {  	v22 =	vld [tilespmem:$0x1FF90]  }
0x15b: {  	v0 =	vmov s31;
	v16 =	vld.idx.msk [tilespmem:v35+s17+$0x0], $0xffff  }
0x15c: {  	v40 =	vld [tilespmem:$0x1FE10];
	v3 =	vshll.u32 v0, $0x9;
	v0 =	vshll.u32 v0, $0x7  }
0x15d: {  	v41 =	vld [tilespmem:$0x1FE40];
	v3 =	vand.u32 $0x3000, v3;
	v0 =	vand.u32 $0x380, v0  }
0x15e: {  	v0 =	vor.u32 v0, v3;
	v3 =	vld.idx.msk [tilespmem:v36+s17+$0x0], $0xffff  }
0x15f: {  	v2 =	vadd.f32 v50, v49;
	v50 =	vor.u32 v22, v0;
	v22 =	vld [tilespmem:$0x1FE00]  }
0x160: {  	v8 =	vadd.f32 v52, v48;
	v11 =	vor.u32 v58, v0;
	v48 =	vld.idx.msk [tilespmem:v34+s17+$0x0], $0xffff  }
0x161: {  	v7 =	vadd.f32 v51, v47;
	v15 =	vor.u32 v60, v0;
	v51 =	vld.idx.msk [tilespmem:v33+s17+$0x0], $0xffff  }
0x162: {  	v9 =	vor.u32 v54, v0;
	v10 =	vor.u32 v55, v0;
	v55 =	vld.idx.msk [tilespmem:v32+s17+$0x0], $0xffff  }
0x163: {  	v34 =	vor.u32 v61, v0;
	v32 =	vld [tilespmem:$0x1FE90]  }
0x164: {  	v52 =	vor.u32 v22, v0;
	v22 =	vld [tilespmem:$0x1FE20]  }
0x165: {  	v11 =	vld.idx.msk [tilespmem:v11+s17+$0x0], $0xffff  }
0x166: {  	v15 =	vld.idx.msk [tilespmem:v15+s17+$0x0], $0xffff  }
0x167: {  	v13 =	vor.u32 v27, v0;
	v9 =	vld.idx.msk [tilespmem:v9+s17+$0x0], $0xffff  }
0x168: {  	v14 =	vor.u32 v25, v0;
	v38 =	vor.u32 v63, v0;
	v63 =	vld.idx.msk [tilespmem:v34+s17+$0x0], $0xffff  }
0x169: {  	v4 =	vadd.f32 v53, v46;
	v53 =	vor.u32 v22, v0;
	v22 =	vld [tilespmem:$0x1FE30]  }
0x16a: {  	v31 =	vmov v17;
	v17 =	vor.u32 v17, v0;
	v10 =	vld.idx.msk [tilespmem:v10+s17+$0x0], $0xffff  }
0x16b: {  	v18 =	vor.u32 v28, v0;
	v35 =	vor.u32 v32, v0;
	v32 =	vld [tilespmem:$0x1FFC0]  }
0x16c: {  	v49 =	vor.u32 v24, v0;
	v13 =	vld.idx.msk [tilespmem:v13+s17+$0x0], $0xffff  }
0x16d: {  	v14 =	vld.idx.msk [tilespmem:v14+s17+$0x0], $0xffff  }
0x16e: {  	v39 =	vadd.f32 v44, v39;
	v54 =	vor.u32 v22, v0;
	v22 =	vld [tilespmem:$0x1FE50]  }
0x16f: {  	v2 =	vadd.f32 v5, v2;
	v4 =	vadd.f32 v6, v4;
	v5 =	vld.idx.msk [tilespmem:v17+s17+$0x0], $0xffff  }
0x170: {  	v58 =	vor.u32 v59, v0;
	v59 =	vor.u32 v20, v0;
	v6 =	vld.idx.msk [tilespmem:v18+s17+$0x0], $0xffff  }
0x171: {  	[tilespmem:s28+$0xFFFFFFC0] =	vst v4;
	v4 =	vadd.f32 v16, v39;
	v39 =	vld.idx.msk [tilespmem:v49+s17+$0x0], $0xffff  }
0x172: {  	v3 =	vadd.f32 v3, v7;
	v34 =	vor.u32 v32, v0;
	v32 =	vld [tilespmem:$0x1FFD0]  }
0x173: {  	v1 =	vadd.f32 v1, v43;
	v56 =	vor.u32 v22, v0;
	v22 =	vld [tilespmem:$0x1FED0]  }
0x174: {  	v60 =	vor.u32 v19, v0;
	v2 =	vadd.f32 v55, v2;
	v55 =	vld [tilespmem:$0x1FEE0];
	[tilespmem:s28+$0xFFFFFFD0] =	vst v3  }
0x175: {  	v1 =	vadd.f32 v51, v1;
	v51 =	vld.idx.msk [tilespmem:v59+s17+$0x0], $0xffff  }
0x176: {  	v8 =	vadd.f32 v12, v8;
	v59 =	vld [tilespmem:$0x1FFA0]  }
0x177: {  	v33 =	vor.u32 v32, v0;
	v32 =	vld [tilespmem:$0x1FEB0]  }
0x178: {  	[tilespmem:s29+$0xFFFFFFE0] =	vst v8;
	v12 =	vld.idx.msk [tilespmem:v52+s17+$0x0], $0xffff;
	v46 =	vor.u32 v22, v0  }
0x179: {  	v47 =	vor.u32 v30, v0;
	v11 =	vadd.f32 v15, v11;
	v52 =	vld.idx.msk [tilespmem:v60+s17+$0x0], $0xffff  }
0x17a: {  	v29 =	vmov v57;
	v57 =	vor.u32 v57, v0;
	v60 =	vld [tilespmem:$0x1FF00]  }
0x17b: {  	v61 =	vor.u32 v62, v0;
	v36 =	vor.u32 v21, v0;
	v43 =	vadd.f32 v63, v11;
	v63 =	vld [tilespmem:$0x1FE60]  }
0x17c: {  	v37 =	vor.u32 v26, v0;
	v32 =	vor.u32 v32, v0;
	v22 =	vmov v62;
	v49 =	vld.idx.msk [tilespmem:v56+s17+$0x0], $0xffff  }
0x17d: {  	v62 =	vor.u32 v40, v0;
	v40 =	vor.u32 v41, v0;
	v41 =	vor.u32 v23, v0;
	v0 =	vld.idx.msk [tilespmem:v46+s17+$0x0], $0xffff  }
0x17e: {  	v46 =	vadd.f32 v10, v9;
	v9 =	vld.idx.msk [tilespmem:v47+s17+$0x0], $0xffff  }
0x17f: {  	v47 =	vadd.f32 v14, v13;
	v13 =	vld.idx.msk [tilespmem:v53+s17+$0x0], $0xffff  }
0x180: {  	v14 =	vld.idx.msk [tilespmem:v54+s17+$0x0], $0xffff  }
0x181: {  	v54 =	vld [tilespmem:$0x1FEC0]  }
0x182: {  	s30 =	sadd.s32 $0x8, s30;
	v42 =	vadd.f32 v45, v42;
	v53 =	vld.idx.msk [tilespmem:v58+s17+$0x0], $0xffff  }
0x183: {  	p1 =	slt.u32 s30, $0xB8;
	v0 =	vadd.f32 v0, v43;
	v43 =	vld.idx.msk [tilespmem:v50+s17+$0x0], $0xffff  }
.Ltmp3:
0x184: {  	v42 =	vadd.f32 v48, v42;
	[tilespmem:s29+$0xFFFFFFF0] =	vst v4;
	v58 =	vld [tilespmem:$0x1FEF0];
	(pc) =	sbr.rel @p1 .LBB2_5-.Ltmp3, $4  }
0x185: {  	[tilespmem:s29+$0x10] =	vst v1;
	v44 =	vld.idx.msk [tilespmem:v61+s17+$0x0], $0xffff  }
0x186: {  	v17 =	vmov v31;
	v61 =	vld [tilespmem:$0x1FF40];
	[tilespmem:s29+$0x0] =	vst v42  }
0x187: {  	s28 =	sadd.s32 $0x80, s28;
	v48 =	vadd.f32 v6, v5;
	v39 =	vadd.f32 v39, v9;
	v50 =	vld.idx.msk [tilespmem:v57+s17+$0x0], $0xffff;
	v57 =	vmov v29;
	[tilespmem:s29+$0x20] =	vst v2  }
0x188: {  	s31 =	sadd.s32 $0x1, s31;
	s29 =	smov.u32 s28;
	v45 =	vld.idx.msk [tilespmem:v62+s17+$0x0], $0xffff;
	v62 =	vmov v22;
	[tilespmem:s28+$0x30] =	vst v0;
	v42 =	vadd.f32 v12, v43;
	v43 =	vadd.f32 v14, v13  }
0x189: {  	_ =	sdelay $0x1  }
0x18a: {  	v56 =	vld [tilespmem:$0x1FFD0]  }
0x18b: {  	v19 =	vld [tilespmem:$0x1FFC0]  }
0x18c: {  	v0 =	vld.idx.msk [tilespmem:v40+s17+$0x0], $0xffff  }
0x18d: {  	v1 =	vld.idx.msk [tilespmem:v41+s17+$0x0], $0xffff  }
0x18e: {  	v2 =	vld.idx.msk [tilespmem:v38+s17+$0x0], $0xffff  }
0x18f: {  	v3 =	vld.idx.msk [tilespmem:v36+s17+$0x0], $0xffff  }
0x190: {  	v4 =	vld.idx.msk [tilespmem:v37+s17+$0x0], $0xffff  }
0x191: {  	v5 =	vadd.f32 v53, v46;
	v6 =	vld.idx.msk [tilespmem:v35+s17+$0x0], $0xffff  }
0x192: {  	v8 =	vadd.f32 v51, v47;
	v9 =	vld.idx.msk [tilespmem:v34+s17+$0x0], $0xffff;
	v10 =	vadd.f32 v52, v48  }
0x193: {  	v11 =	vld.idx.msk [tilespmem:v33+s17+$0x0], $0xffff;
	v12 =	vadd.f32 v44, v39;
	v2 =	vadd.f32 v2, v5  }
0x194: {  	v7 =	vadd.f32 v50, v49;
	v50 =	vld.idx.msk [tilespmem:v32+s17+$0x0], $0xffff;
	v3 =	vadd.f32 v3, v8  }
0x195: {  	v13 =	vld [tilespmem:$0x1FF90];
	v51 =	vadd.f32 v45, v42;
	v4 =	vadd.f32 v4, v10;
	[tilespmem:s28+$0xFFFFFFC0] =	vst v2  }
0x196: {  	v0 =	vadd.f32 v0, v43;
	v52 =	vadd.f32 v6, v12;
	[tilespmem:s28+$0xFFFFFFD0] =	vst v3  }
0x197: {  	p1 =	seq.s32 s25, $0x8;
	v1 =	vadd.f32 v1, v7;
	v53 =	vadd.f32 v9, v51;
	[tilespmem:s29+$0xFFFFFFE0] =	vst v4  }
.Ltmp4:
0x198: {  	v0 =	vadd.f32 v11, v0;
	[tilespmem:s29+$0xFFFFFFF0] =	vst v52;
	(pc) =	sbr.rel @p1 .LBB2_8-.Ltmp4, $4  }
0x199: {  	s31 =	sadd.s32 s26, s11;
	v1 =	vadd.f32 v50, v1;
	[tilespmem:s29+$0x0] =	vst v53  }
0x19a: {  	s28 =	sshll.u32 s31, $0x4;
	[tilespmem:s29+$0x10] =	vst v0  }
0x19b: {  	s28 =	sadd.s32 s4, s28;
	[tilespmem:s29+$0x20] =	vst v1  }
0x19c: {  	v14 =	vmov v24;
	v18 =	vmov v20;
	[hbm4b:s28+s3] =	stream.linear.scatter [tilespmem:s21], [sflag:$0x4], $0xC00, $0x38;
	[tilespmem:$0x7800] =	vst v63  }
0x19d: {  	v10 =	vld [tilespmem:$0x1FE90]  }
0x19e: {  	v24 =	vld [tilespmem:$0x1FEA0]  }
.Ltmp5:
0x19f: {  	v2 =	vld [tilespmem:$0x1FEB0];
	(pc) =	sbr.rel .LBB2_2-.Ltmp5, $4  }
0x1a0: {  	s26 =	sadd.s32 s26, s9;
	v16 =	vmov v13;
	v13 =	vld [tilespmem:$0x1FED0]  }
0x1a1: {  	v22 =	vld [tilespmem:$0x1FF10];
	s26 =	sshll.u32 s26, $0x6  }
0x1a2: {  	s25 =	sadd.s32 $0x1, s25;
	v6 =	vld [tilespmem:$0x1FF20];
	s26 =	sadd.s32 s1, s26  }
0x1a3: {  	v0 =	vmov v56;
	v15 =	vmov v27;
	v8 =	vld [tilespmem:$0x1FF30];
	v30 =	vmov v14;
	[tilespmem:s17], [sflag:$0x2] =	stream.linear.gather [hbm4b:s26+s3], $0x3000, $0x38  }
.LBB2_8:
0x1a4: {  	_ =	swait.ge [sflag:s22], $0xC00  }
0x1a5: {  	[sflag:s22] =	ssyncset.done $0x0  }
0x1a6: {  	[sflag:s22] =	ssyncadd.s32 $0xFFFFF400  }
0x1a7: {  	_ =	swait.ge [sflag:s18], $0x3000  }
0x1a8: {  	v6 =	vld [tilespmem:$0x1FED0]  }
0x1a9: {  	v10 =	vld [tilespmem:$0x1FF10]  }
0x1aa: {  	v11 =	vld [tilespmem:$0x1FF30]  }
0x1ab: {  	s25 =	simm.s32 $0x0;
	v51 =	vld [tilespmem:$0x1FE00]  }
0x1ac: {  	v0 =	vmov s25;
	v30 =	vld [tilespmem:$0x1FE20]  }
0x1ad: {  	v1 =	vshll.u32 v0, $0x9;
	v0 =	vshll.u32 v0, $0x7;
	v24 =	vld [tilespmem:$0x1FE30]  }
0x1ae: {  	v1 =	vand.u32 $0x3000, v1;
	v0 =	vand.u32 $0x380, v0;
	v43 =	vld [tilespmem:$0x1FE50]  }
0x1af: {  	v0 =	vor.u32 v0, v1;
	v28 =	vld [tilespmem:$0x1FE40]  }
0x1b0: {  	v52 =	vld [tilespmem:$0x1FE70];
	v1 =	vor.u32 v58, v0  }
0x1b1: {  	v53 =	vld [tilespmem:$0x1FEA0];
	v2 =	vor.u32 v60, v0  }
0x1b2: {  	v26 =	vld [tilespmem:$0x1FE80];
	v3 =	vor.u32 v54, v0  }
0x1b3: {  	[sflag:s18] =	ssyncset.done $0x0;
	v4 =	vor.u32 v61, v0;
	v33 =	vor.u32 v18, v0;
	v18 =	vld [tilespmem:$0x1FF20]  }
0x1b4: {  	[sflag:s18] =	ssyncadd.s32 $0xFFFFD000;
	v5 =	vor.u32 v55, v0;
	v20 =	vor.u32 v57, v0;
	v57 =	vld [tilespmem:$0x1FE90]  }
0x1b5: {  	v7 =	vor.u32 v27, v0;
	v1 =	vld.idx.msk [tilespmem:v1+s3+$0x0], $0xffff  }
0x1b6: {  	v8 =	vor.u32 v25, v0;
	v2 =	vld.idx.msk [tilespmem:v2+s3+$0x0], $0xffff  }
0x1b7: {  	v9 =	vor.u32 v17, v0;
	v3 =	vld.idx.msk [tilespmem:v3+s3+$0x0], $0xffff  }
0x1b8: {  	v12 =	vor.u32 v14, v0;
	v4 =	vld.idx.msk [tilespmem:v4+s3+$0x0], $0xffff  }
0x1b9: {  	v13 =	vor.u32 v13, v0;
	v5 =	vld.idx.msk [tilespmem:v5+s3+$0x0], $0xffff  }
0x1ba: {  	v7 =	vld.idx.msk [tilespmem:v7+s3+$0x0], $0xffff  }
0x1bb: {  	v8 =	vld.idx.msk [tilespmem:v8+s3+$0x0], $0xffff  }
0x1bc: {  	v32 =	vor.u32 v59, v0;
	v9 =	vld.idx.msk [tilespmem:v9+s3+$0x0], $0xffff  }
0x1bd: {  	v12 =	vld.idx.msk [tilespmem:v12+s3+$0x0], $0xffff  }
0x1be: {  	v6 =	vor.u32 v6, v0;
	v13 =	vld.idx.msk [tilespmem:v13+s3+$0x0], $0xffff  }
0x1bf: {  	v10 =	vor.u32 v10, v0;
	v39 =	vor.u32 v18, v0;
	v18 =	vld [tilespmem:$0x1FE10]  }
0x1c0: {  	v11 =	vor.u32 v11, v0;
	v50 =	vld.idx.msk [tilespmem:v20+s3+$0x0], $0xffff  }
0x1c1: {  	v14 =	vor.u32 v51, v0;
	v41 =	vor.u32 v53, v0;
	v53 =	vld.idx.msk [tilespmem:v32+s3+$0x0], $0xffff  }
0x1c2: {  	v15 =	vor.u32 v30, v0;
	v20 =	vld [tilespmem:$0x1FEB0]  }
0x1c3: {  	v16 =	vor.u32 v24, v0;
	v6 =	vld.idx.msk [tilespmem:v6+s3+$0x0], $0xffff  }
0x1c4: {  	v10 =	vld.idx.msk [tilespmem:v10+s3+$0x0], $0xffff  }
0x1c5: {  	v42 =	vor.u32 v62, v0;
	v11 =	vld.idx.msk [tilespmem:v11+s3+$0x0], $0xffff  }
0x1c6: {  	v17 =	vor.u32 v43, v0;
	v14 =	vld.idx.msk [tilespmem:v14+s3+$0x0], $0xffff  }
0x1c7: {  	v23 =	vmovc v25;
	v21 =	vmov v19;
	v38 =	vor.u32 v63, v0;
	v15 =	vld.idx.msk [tilespmem:v15+s3+$0x0], $0xffff;
	v1 =	vadd.f32 v2, v1  }
0x1c8: {  	v34 =	vor.u32 v19, v0;
	v40 =	vor.u32 v28, v0;
	v16 =	vld.idx.msk [tilespmem:v16+s3+$0x0], $0xffff;
	v45 =	vor.u32 v18, v0  }
0x1c9: {  	v36 =	vor.u32 v52, v0;
	v37 =	vor.u32 v26, v0;
	v51 =	vld.idx.msk [tilespmem:v33+s3+$0x0], $0xffff;
	v1 =	vadd.f32 v4, v1  }
0x1ca: {  	v27 =	vmovc v56;
	v19 =	vmov v43;
	v35 =	vor.u32 v57, v0;
	v44 =	vld.idx.msk [tilespmem:v42+s3+$0x0], $0xffff;
	v46 =	vadd.f32 v5, v3  }
0x1cb: {  	v33 =	vor.u32 v56, v0;
	v49 =	vld.idx.msk [tilespmem:v17+s3+$0x0], $0xffff;
	v47 =	vadd.f32 v8, v7;
	v1 =	vadd.f32 v6, v1  }
0x1cc: {  	s25 =	simm.s32 $0x6040;
	v52 =	vld.idx.msk [tilespmem:v39+s3+$0x0], $0xffff;
	v32 =	vor.u32 v20, v0;
	v48 =	vadd.f32 v10, v9;
	v39 =	vadd.f32 v12, v11  }
0x1cd: {  	s28 =	simm.s32 $0x0;
	s29 =	simm.s32 $0x1;
	s26 =	simm.s32 $0x6040;
	v25 =	vmov v57;
	v42 =	vadd.f32 v14, v13;
	v43 =	vadd.f32 v16, v15;
	v45 =	vld.idx.msk [tilespmem:v45+s3+$0x0], $0xffff;
	[tilespmem:s25+$0x30] =	vst v1  }
.LBB2_9:
0x1ce: {  	v1 =	vld.idx.msk [tilespmem:v40+s3+$0x0], $0xffff  }
0x1cf: {  	v5 =	vld.idx.msk [tilespmem:v41+s3+$0x0], $0xffff  }
0x1d0: {  	v6 =	vld.idx.msk [tilespmem:v38+s3+$0x0], $0xffff  }
0x1d1: {  	v12 =	vld.idx.msk [tilespmem:v37+s3+$0x0], $0xffff  }
0x1d2: {  	v13 =	vld [tilespmem:$0x1FF80]  }
0x1d3: {  	v16 =	vld.idx.msk [tilespmem:v35+s3+$0x0], $0xffff  }
0x1d4: {  	v17 =	vld [tilespmem:$0x1FFB0]  }
0x1d5: {  	v18 =	vld [tilespmem:$0x1FF10]  }
0x1d6: {  	v56 =	vld [tilespmem:$0x1FF90]  }
0x1d7: {  	v0 =	vmov s29;
	v57 =	vld [tilespmem:$0x1FE00]  }
0x1d8: {  	v37 =	vld [tilespmem:$0x1FE70];
	v3 =	vshll.u32 v0, $0x9;
	v0 =	vshll.u32 v0, $0x7  }
0x1d9: {  	v41 =	vld [tilespmem:$0x1FEA0];
	v3 =	vand.u32 $0x3000, v3;
	v0 =	vand.u32 $0x380, v0  }
0x1da: {  	v0 =	vor.u32 v0, v3;
	v3 =	vld.idx.msk [tilespmem:v36+s3+$0x0], $0xffff  }
0x1db: {  	v36 =	vld [tilespmem:$0x1FE10]  }
0x1dc: {  	v9 =	vor.u32 v54, v0;
	v54 =	vld [tilespmem:$0x1FF30]  }
0x1dd: {  	v8 =	vadd.f32 v52, v48;
	v48 =	vld.idx.msk [tilespmem:v34+s3+$0x0], $0xffff  }
0x1de: {  	v10 =	vor.u32 v55, v0;
	v55 =	vld [tilespmem:$0x1FF70]  }
0x1df: {  	v7 =	vadd.f32 v51, v47;
	v11 =	vor.u32 v58, v0;
	v51 =	vld.idx.msk [tilespmem:v33+s3+$0x0], $0xffff  }
0x1e0: {  	v15 =	vor.u32 v60, v0;
	v58 =	vld [tilespmem:$0x1FED0]  }
0x1e1: {  	v60 =	vld [tilespmem:$0x1FF50]  }
0x1e2: {  	v34 =	vor.u32 v61, v0;
	v61 =	vld [tilespmem:$0x1FF20]  }
0x1e3: {  	v2 =	vadd.f32 v50, v49;
	v49 =	vor.u32 v55, v0;
	v55 =	vld.idx.msk [tilespmem:v32+s3+$0x0], $0xffff  }
0x1e4: {  	v14 =	vor.u32 v23, v0;
	v11 =	vld.idx.msk [tilespmem:v11+s3+$0x0], $0xffff  }
0x1e5: {  	v13 =	vor.u32 v13, v0;
	v15 =	vld.idx.msk [tilespmem:v15+s3+$0x0], $0xffff  }
0x1e6: {  	v4 =	vadd.f32 v53, v46;
	v17 =	vor.u32 v17, v0;
	v9 =	vld.idx.msk [tilespmem:v9+s3+$0x0], $0xffff  }
0x1e7: {  	v53 =	vor.u32 v30, v0;
	v38 =	vor.u32 v63, v0;
	v18 =	vor.u32 v18, v0;
	v63 =	vld.idx.msk [tilespmem:v34+s3+$0x0], $0xffff  }
0x1e8: {  	v40 =	vor.u32 v28, v0;
	v35 =	vor.u32 v25, v0;
	v50 =	vor.u32 v56, v0;
	v10 =	vld.idx.msk [tilespmem:v10+s3+$0x0], $0xffff  }
0x1e9: {  	v33 =	vor.u32 v27, v0;
	v52 =	vor.u32 v57, v0;
	v57 =	vor.u32 v29, v0;
	v14 =	vld.idx.msk [tilespmem:v14+s3+$0x0], $0xffff  }
0x1ea: {  	v39 =	vadd.f32 v44, v39;
	v56 =	vor.u32 v19, v0;
	v46 =	vor.u32 v58, v0;
	v13 =	vld.idx.msk [tilespmem:v13+s3+$0x0], $0xffff  }
0x1eb: {  	v41 =	vor.u32 v41, v0;
	v2 =	vadd.f32 v5, v2;
	v47 =	vor.u32 v54, v0;
	v5 =	vld.idx.msk [tilespmem:v17+s3+$0x0], $0xffff  }
0x1ec: {  	v4 =	vadd.f32 v6, v4;
	v8 =	vadd.f32 v12, v8;
	v54 =	vor.u32 v24, v0;
	v6 =	vld.idx.msk [tilespmem:v18+s3+$0x0], $0xffff  }
0x1ed: {  	v58 =	vor.u32 v59, v0;
	v59 =	vor.u32 v60, v0;
	v60 =	vor.u32 v61, v0;
	v12 =	vld.idx.msk [tilespmem:v50+s3+$0x0], $0xffff  }
0x1ee: {  	v61 =	vor.u32 v62, v0;
	v62 =	vor.u32 v36, v0;
	v36 =	vor.u32 v37, v0;
	v50 =	vld.idx.msk [tilespmem:v57+s3+$0x0], $0xffff  }
0x1ef: {  	v37 =	vor.u32 v26, v0;
	v34 =	vor.u32 v21, v0;
	v32 =	vor.u32 v20, v0;
	v0 =	vld.idx.msk [tilespmem:v46+s3+$0x0], $0xffff  }
0x1f0: {  	v3 =	vadd.f32 v3, v7;
	v46 =	vadd.f32 v10, v9;
	v9 =	vld.idx.msk [tilespmem:v47+s3+$0x0], $0xffff  }
0x1f1: {  	v11 =	vadd.f32 v15, v11;
	v15 =	vadd.f32 v16, v39;
	v39 =	vld.idx.msk [tilespmem:v49+s3+$0x0], $0xffff  }
0x1f2: {  	v1 =	vadd.f32 v1, v43;
	v2 =	vadd.f32 v55, v2;
	v55 =	vld [tilespmem:$0x1FEE0]  }
0x1f3: {  	[tilespmem:s25+$0xFFFFFFD0] =	vst v3;
	v49 =	vld.idx.msk [tilespmem:v56+s3+$0x0], $0xffff  }
0x1f4: {  	v1 =	vadd.f32 v51, v1;
	v51 =	vld.idx.msk [tilespmem:v59+s3+$0x0], $0xffff  }
0x1f5: {  	v59 =	vld [tilespmem:$0x1FFA0]  }
0x1f6: {  	v47 =	vadd.f32 v14, v13;
	v13 =	vld.idx.msk [tilespmem:v52+s3+$0x0], $0xffff  }
0x1f7: {  	[tilespmem:s25+$0xFFFFFFC0] =	vst v4;
	v14 =	vld.idx.msk [tilespmem:v53+s3+$0x0], $0xffff  }
0x1f8: {  	v53 =	vld.idx.msk [tilespmem:v58+s3+$0x0], $0xffff  }
0x1f9: {  	[tilespmem:s26+$0xFFFFFFE0] =	vst v8;
	v58 =	vld [tilespmem:$0x1FEF0]  }
0x1fa: {  	v52 =	vld.idx.msk [tilespmem:v60+s3+$0x0], $0xffff  }
0x1fb: {  	s28 =	sadd.s32 $0x8, s28;
	v60 =	vld [tilespmem:$0x1FF00]  }
0x1fc: {  	p1 =	slt.u32 s28, $0xB8;
	v42 =	vadd.f32 v45, v42;
	v43 =	vadd.f32 v63, v11;
	[tilespmem:s26+$0xFFFFFFF0] =	vst v15;
	v15 =	vld.idx.msk [tilespmem:v54+s3+$0x0], $0xffff  }
.Ltmp6:
0x1fd: {  	v63 =	vld [tilespmem:$0x1FE60];
	(pc) =	sbr.rel @p1 .LBB2_9-.Ltmp6, $4  }
0x1fe: {  	v54 =	vld [tilespmem:$0x1FEC0];
	[tilespmem:s26+$0x10] =	vst v1;
	v0 =	vadd.f32 v0, v43;
	v43 =	vadd.f32 v48, v42  }
0x1ff: {  	[tilespmem:s26+$0x20] =	vst v2;
	v44 =	vld.idx.msk [tilespmem:v61+s3+$0x0], $0xffff  }
0x200: {  	s25 =	sadd.s32 $0x80, s25;
	v61 =	vld [tilespmem:$0x1FF40];
	v48 =	vadd.f32 v6, v5;
	v39 =	vadd.f32 v39, v9;
	[tilespmem:s26+$0x0] =	vst v43  }
0x201: {  	s29 =	sadd.s32 $0x1, s29;
	v42 =	vadd.f32 v13, v12;
	[tilespmem:s25+$0x30] =	vst v0;
	s26 =	smov.u32 s25;
	v43 =	vadd.f32 v15, v14;
	v45 =	vld.idx.msk [tilespmem:v62+s3+$0x0], $0xffff;
	v62 =	vmov v22  }
0x202: {  	_ =	sdelay $0x3  }
0x203: {  	v0 =	vld.idx.msk [tilespmem:v40+s3+$0x0], $0xffff  }
0x204: {  	v1 =	vld.idx.msk [tilespmem:v41+s3+$0x0], $0xffff  }
0x205: {  	v2 =	vld.idx.msk [tilespmem:v38+s3+$0x0], $0xffff  }
0x206: {  	v3 =	vld.idx.msk [tilespmem:v36+s3+$0x0], $0xffff  }
0x207: {  	v4 =	vld.idx.msk [tilespmem:v37+s3+$0x0], $0xffff  }
0x208: {  	v5 =	vadd.f32 v53, v46;
	v6 =	vld.idx.msk [tilespmem:v35+s3+$0x0], $0xffff  }
0x209: {  	v7 =	vadd.f32 v50, v49;
	v8 =	vadd.f32 v51, v47;
	v9 =	vld.idx.msk [tilespmem:v34+s3+$0x0], $0xffff  }
0x20a: {  	v10 =	vadd.f32 v52, v48;
	v11 =	vld.idx.msk [tilespmem:v33+s3+$0x0], $0xffff;
	v2 =	vadd.f32 v2, v5  }
0x20b: {  	v35 =	vld.idx.msk [tilespmem:v32+s3+$0x0], $0xffff;
	v12 =	vadd.f32 v44, v39;
	v3 =	vadd.f32 v3, v8  }
0x20c: {  	v36 =	vadd.f32 v45, v42;
	v4 =	vadd.f32 v4, v10;
	[tilespmem:s25+$0xFFFFFFC0] =	vst v2  }
0x20d: {  	v0 =	vadd.f32 v0, v43;
	v37 =	vadd.f32 v6, v12;
	[tilespmem:s25+$0xFFFFFFD0] =	vst v3  }
0x20e: {  	v1 =	vadd.f32 v1, v7;
	v38 =	vadd.f32 v9, v36;
	[tilespmem:s26+$0xFFFFFFE0] =	vst v4  }
0x20f: {  	v0 =	vadd.f32 v11, v0;
	[tilespmem:s26+$0xFFFFFFF0] =	vst v37  }
0x210: {  	v1 =	vadd.f32 v35, v1;
	[tilespmem:s26+$0x0] =	vst v38  }
0x211: {  	[tilespmem:s26+$0x10] =	vst v0  }
0x212: {  	s31 =	simm.s32 $0x0;
	[tilespmem:s26+$0x20] =	vst v1  }
0x213: {  	[hbm4b:s10+s31] =	stream.linear.scatter [tilespmem:s19], [sflag:$0x3], $0xC00, $0x38;
	[tilespmem:$0x7800] =	vst v63  }
0x214: {  	_ =	swait.ge [sflag:s22], $0xC00  }
0x215: {  	[sflag:s22] =	ssyncset.done $0x0  }
0x216: {  	[sflag:s22] =	ssyncadd.s32 $0xFFFFF400  }
0x217: {  	[tilespmem:s31], [sflag:$0x1] =	stream.linear.gather [hbm4b:s12+s31], $0x1000, $0x38;
	[tilespmem:$0x7800] =	vst v63  }
0x218: {  	_ =	swait.ge [sflag:s18], $0x1000  }
0x219: {  	v45 =	vld [tilespmem:$0x1FED0]  }
0x21a: {  	v39 =	vmov s31;
	v46 =	vld [tilespmem:$0x1FF80]  }
0x21b: {  	v0 =	vshll.u32 v39, $0x7;
	v48 =	vld [tilespmem:$0x1FFB0]  }
0x21c: {  	v0 =	vand.u32 $0x380, v0;
	v49 =	vld [tilespmem:$0x1FF10]  }
0x21d: {  	v0 =	vbroadcast v0, $0x0;
	v50 =	vld [tilespmem:$0x1FF30]  }
0x21e: {  	v51 =	vld [tilespmem:$0x1FF70]  }
0x21f: {  	v40 =	vor.u32 v58, v0;
	v13 =	vld [tilespmem:$0x1FF90]  }
0x220: {  	v41 =	vor.u32 v60, v0;
	v14 =	vld [tilespmem:$0x1FE00]  }
0x221: {  	v42 =	vor.u32 v54, v0;
	v52 =	vld [tilespmem:$0x1FF50]  }
0x222: {  	v43 =	vor.u32 v61, v0;
	[sflag:s18] =	ssyncset.done $0x0;
	v53 =	vld [tilespmem:$0x1FF20]  }
0x223: {  	v16 =	vor.u32 v24, v0;
	v32 =	vor.u32 v59, v0;
	v59 =	vld [tilespmem:$0x1FE10];
	[sflag:s18] =	ssyncadd.s32 $0xFFFFF000  }
0x224: {  	v1 =	vld.idx.msk [tilespmem:v40+s3+$0x0], $0xffff  }
0x225: {  	v44 =	vor.u32 v55, v0;
	v2 =	vld.idx.msk [tilespmem:v41+s3+$0x0], $0xffff  }
0x226: {  	v47 =	vor.u32 v23, v0;
	v3 =	vld.idx.msk [tilespmem:v42+s3+$0x0], $0xffff  }
0x227: {  	v15 =	vor.u32 v30, v0;
	v4 =	vld.idx.msk [tilespmem:v43+s3+$0x0], $0xffff  }
0x228: {  	v17 =	vor.u32 v19, v0;
	v57 =	vor.u32 v62, v0;
	v62 =	vld.idx.msk [tilespmem:v16+s3+$0x0], $0xffff  }
0x229: {  	v16 =	vld [tilespmem:$0x1FE70]  }
0x22a: {  	v5 =	vld.idx.msk [tilespmem:v44+s3+$0x0], $0xffff;
	v6 =	vor.u32 v45, v0  }
0x22b: {  	v8 =	vld.idx.msk [tilespmem:v47+s3+$0x0], $0xffff;
	v7 =	vor.u32 v46, v0  }
0x22c: {  	v15 =	vld.idx.msk [tilespmem:v15+s3+$0x0], $0xffff;
	v9 =	vor.u32 v48, v0  }
0x22d: {  	v10 =	vor.u32 v49, v0;
	v49 =	vld.idx.msk [tilespmem:v17+s3+$0x0], $0xffff  }
0x22e: {  	v11 =	vor.u32 v50, v0;
	v36 =	vor.u32 v16, v0;
	v16 =	vld [tilespmem:$0x1FEA0]  }
0x22f: {  	v12 =	vor.u32 v51, v0;
	v6 =	vld.idx.msk [tilespmem:v6+s3+$0x0], $0xffff  }
0x230: {  	v13 =	vor.u32 v13, v0;
	v7 =	vld.idx.msk [tilespmem:v7+s3+$0x0], $0xffff  }
0x231: {  	v14 =	vor.u32 v14, v0;
	v9 =	vld.idx.msk [tilespmem:v9+s3+$0x0], $0xffff  }
0x232: {  	v18 =	vor.u32 v29, v0;
	v10 =	vld.idx.msk [tilespmem:v10+s3+$0x0], $0xffff  }
0x233: {  	v11 =	vld.idx.msk [tilespmem:v11+s3+$0x0], $0xffff  }
0x234: {  	v12 =	vld.idx.msk [tilespmem:v12+s3+$0x0], $0xffff  }
0x235: {  	v39 =	vor.u32 v28, v0;
	v40 =	vor.u32 v52, v0;
	v1 =	vadd.f32 v2, v1;
	v13 =	vld.idx.msk [tilespmem:v13+s3+$0x0], $0xffff  }
0x236: {  	v38 =	vor.u32 v63, v0;
	v37 =	vor.u32 v26, v0;
	v56 =	vor.u32 v53, v0;
	v14 =	vld.idx.msk [tilespmem:v14+s3+$0x0], $0xffff  }
0x237: {  	v35 =	vor.u32 v25, v0;
	v41 =	vor.u32 v59, v0;
	v50 =	vld.idx.msk [tilespmem:v18+s3+$0x0], $0xffff;
	v1 =	vadd.f32 v4, v1  }
0x238: {  	v34 =	vor.u32 v21, v0;
	v33 =	vor.u32 v27, v0;
	v52 =	vld.idx.msk [tilespmem:v32+s3+$0x0], $0xffff;
	v46 =	vadd.f32 v5, v3  }
0x239: {  	v45 =	vld.idx.msk [tilespmem:v57+s3+$0x0], $0xffff;
	v44 =	vadd.f32 v62, v15;
	v42 =	vor.u32 v16, v0;
	v1 =	vadd.f32 v6, v1  }
0x23a: {  	s25 =	simm.s32 $0x6040;
	v32 =	vor.u32 v20, v0;
	v51 =	vld.idx.msk [tilespmem:v40+s3+$0x0], $0xffff;
	v47 =	vadd.f32 v8, v7;
	v48 =	vadd.f32 v10, v9  }
0x23b: {  	s28 =	simm.s32 $0x0;
	s29 =	simm.s32 $0x1;
	s26 =	simm.s32 $0x6040;
	v53 =	vld.idx.msk [tilespmem:v56+s3+$0x0], $0xffff;
	v40 =	vadd.f32 v12, v11;
	v43 =	vadd.f32 v14, v13;
	[tilespmem:s25+$0x30] =	vst v1  }
.LBB2_11:
0x23c: {  	v1 =	vld.idx.msk [tilespmem:v41+s3+$0x0], $0xffff  }
0x23d: {  	v2 =	vld.idx.msk [tilespmem:v39+s3+$0x0], $0xffff  }
0x23e: {  	v5 =	vld.idx.msk [tilespmem:v42+s3+$0x0], $0xffff  }
0x23f: {  	v6 =	vld.idx.msk [tilespmem:v38+s3+$0x0], $0xffff  }
0x240: {  	v8 =	vld.idx.msk [tilespmem:v36+s3+$0x0], $0xffff  }
0x241: {  	v13 =	vld.idx.msk [tilespmem:v37+s3+$0x0], $0xffff  }
0x242: {  	v14 =	vld [tilespmem:$0x1FF80]  }
0x243: {  	v17 =	vld.idx.msk [tilespmem:v35+s3+$0x0], $0xffff  }
0x244: {  	v18 =	vld [tilespmem:$0x1FFB0]  }
0x245: {  	v57 =	vld [tilespmem:$0x1FF10]  }
0x246: {  	v59 =	vld [tilespmem:$0x1FF70]  }
0x247: {  	v62 =	vld [tilespmem:$0x1FE00]  }
0x248: {  	v36 =	vld [tilespmem:$0x1FED0]  }
0x249: {  	v0 =	vmov s29;
	v38 =	vld [tilespmem:$0x1FF50]  }
0x24a: {  	v39 =	vld [tilespmem:$0x1FF20];
	v0 =	vshll.u32 v0, $0x7  }
0x24b: {  	v41 =	vld [tilespmem:$0x1FE10];
	v0 =	vand.u32 $0x380, v0  }
0x24c: {  	v42 =	vld [tilespmem:$0x1FE70];
	v0 =	vbroadcast v0, $0x0  }
0x24d: {  	v9 =	vadd.f32 v53, v48;
	v48 =	vld.idx.msk [tilespmem:v34+s3+$0x0], $0xffff  }
0x24e: {  	v7 =	vadd.f32 v51, v47;
	v51 =	vld.idx.msk [tilespmem:v33+s3+$0x0], $0xffff;
	v12 =	vor.u32 v58, v0  }
0x24f: {  	v16 =	vor.u32 v60, v0;
	v58 =	vld [tilespmem:$0x1FF30]  }
0x250: {  	v10 =	vor.u32 v54, v0;
	v60 =	vld [tilespmem:$0x1FF90]  }
0x251: {  	v11 =	vor.u32 v55, v0;
	v55 =	vld.idx.msk [tilespmem:v32+s3+$0x0], $0xffff  }
0x252: {  	v37 =	vmov v23;
	v15 =	vor.u32 v23, v0;
	v23 =	vld [tilespmem:$0x1FFA0]  }
0x253: {  	v14 =	vor.u32 v14, v0;
	v12 =	vld.idx.msk [tilespmem:v12+s3+$0x0], $0xffff  }
0x254: {  	v3 =	vadd.f32 v50, v49;
	v16 =	vld.idx.msk [tilespmem:v16+s3+$0x0], $0xffff  }
0x255: {  	v4 =	vadd.f32 v52, v46;
	v18 =	vor.u32 v18, v0;
	v46 =	vor.u32 v57, v0;
	v10 =	vld.idx.msk [tilespmem:v10+s3+$0x0], $0xffff  }
0x256: {  	v50 =	vor.u32 v60, v0;
	v60 =	vor.u32 v38, v0;
	v38 =	vor.u32 v63, v0;
	v63 =	vld [tilespmem:$0x1FEA0]  }
0x257: {  	v49 =	vor.u32 v59, v0;
	v11 =	vld.idx.msk [tilespmem:v11+s3+$0x0], $0xffff  }
0x258: {  	v14 =	vld.idx.msk [tilespmem:v14+s3+$0x0], $0xffff  }
0x259: {  	v34 =	vor.u32 v61, v0;
	v52 =	vor.u32 v62, v0;
	v53 =	vor.u32 v30, v0;
	v15 =	vld.idx.msk [tilespmem:v15+s3+$0x0], $0xffff  }
0x25a: {  	v54 =	vor.u32 v24, v0;
	v56 =	vor.u32 v19, v0;
	v3 =	vadd.f32 v5, v3;
	v5 =	vld.idx.msk [tilespmem:v18+s3+$0x0], $0xffff  }
0x25b: {  	v57 =	vor.u32 v29, v0;
	v4 =	vadd.f32 v6, v4;
	v6 =	vadd.f32 v8, v7;
	v7 =	vld.idx.msk [tilespmem:v46+s3+$0x0], $0xffff  }
0x25c: {  	v1 =	vadd.f32 v1, v43;
	v47 =	vor.u32 v58, v0;
	v58 =	vor.u32 v36, v0;
	v43 =	vld.idx.msk [tilespmem:v49+s3+$0x0], $0xffff  }
0x25d: {  	v61 =	vor.u32 v39, v0;
	v62 =	vor.u32 v22, v0;
	v3 =	vadd.f32 v55, v3;
	v55 =	vld [tilespmem:$0x1FEE0]  }
0x25e: {  	v41 =	vor.u32 v41, v0;
	v39 =	vor.u32 v28, v0;
	v9 =	vadd.f32 v13, v9;
	v13 =	vld.idx.msk [tilespmem:v52+s3+$0x0], $0xffff  }
0x25f: {  	v35 =	vor.u32 v25, v0;
	v33 =	vor.u32 v27, v0;
	v32 =	vor.u32 v20, v0;
	v49 =	vld.idx.msk [tilespmem:v56+s3+$0x0], $0xffff  }
0x260: {  	v59 =	vor.u32 v23, v0;
	v36 =	vor.u32 v42, v0;
	v42 =	vor.u32 v63, v0;
	v63 =	vld.idx.msk [tilespmem:v34+s3+$0x0], $0xffff  }
0x261: {  	v23 =	vmov v37;
	v37 =	vor.u32 v26, v0;
	v34 =	vor.u32 v21, v0;
	v0 =	vld.idx.msk [tilespmem:v58+s3+$0x0], $0xffff  }
0x262: {  	v58 =	vld [tilespmem:$0x1FEF0]  }
0x263: {  	v46 =	vadd.f32 v11, v10;
	v10 =	vld.idx.msk [tilespmem:v47+s3+$0x0], $0xffff  }
0x264: {  	v47 =	vadd.f32 v15, v14;
	v14 =	vld.idx.msk [tilespmem:v53+s3+$0x0], $0xffff  }
0x265: {  	v15 =	vld.idx.msk [tilespmem:v54+s3+$0x0], $0xffff  }
0x266: {  	[tilespmem:s25+$0xFFFFFFC0] =	vst v4;
	v54 =	vld [tilespmem:$0x1FEC0]  }
0x267: {  	v2 =	vadd.f32 v2, v44;
	v12 =	vadd.f32 v16, v12;
	v52 =	vld.idx.msk [tilespmem:v59+s3+$0x0], $0xffff  }
0x268: {  	v40 =	vadd.f32 v45, v40;
	[tilespmem:s25+$0xFFFFFFD0] =	vst v6;
	v59 =	vld [tilespmem:$0x1FFA0]  }
0x269: {  	v2 =	vadd.f32 v51, v2;
	v51 =	vld.idx.msk [tilespmem:v60+s3+$0x0], $0xffff;
	v12 =	vadd.f32 v63, v12  }
0x26a: {  	s28 =	sadd.s32 $0x8, s28;
	v40 =	vadd.f32 v17, v40;
	v60 =	vld [tilespmem:$0x1FF00]  }
0x26b: {  	p1 =	slt.u32 s28, $0x38;
	[tilespmem:s26+$0xFFFFFFE0] =	vst v9;
	v0 =	vadd.f32 v0, v12;
	v12 =	vld.idx.msk [tilespmem:v50+s3+$0x0], $0xffff  }
.Ltmp7:
0x26c: {  	v1 =	vadd.f32 v48, v1;
	[tilespmem:s26+$0xFFFFFFF0] =	vst v40;
	v53 =	vld.idx.msk [tilespmem:v61+s3+$0x0], $0xffff;
	(pc) =	sbr.rel @p1 .LBB2_11-.Ltmp7, $4  }
0x26d: {  	[tilespmem:s26+$0x10] =	vst v2;
	v61 =	vld [tilespmem:$0x1FF40]  }
0x26e: {  	v45 =	vld.idx.msk [tilespmem:v62+s3+$0x0], $0xffff;
	[tilespmem:s26+$0x0] =	vst v1  }
0x26f: {  	s25 =	sadd.s32 $0x80, s25;
	v48 =	vadd.f32 v7, v5;
	v40 =	vadd.f32 v43, v10;
	v50 =	vld.idx.msk [tilespmem:v57+s3+$0x0], $0xffff;
	[tilespmem:s26+$0x20] =	vst v3  }
0x270: {  	s29 =	sadd.s32 $0x1, s29;
	v63 =	vld [tilespmem:$0x1FE60];
	v44 =	vadd.f32 v15, v14;
	s26 =	smov.u32 s25;
	[tilespmem:s25+$0x30] =	vst v0;
	v43 =	vadd.f32 v13, v12  }
0x271: {  	_ =	sdelay $0x3  }
0x272: {  	v0 =	vld.idx.msk [tilespmem:v41+s3+$0x0], $0xffff  }
0x273: {  	v1 =	vld.idx.msk [tilespmem:v39+s3+$0x0], $0xffff  }
0x274: {  	v2 =	vld.idx.msk [tilespmem:v42+s3+$0x0], $0xffff  }
0x275: {  	v3 =	vld.idx.msk [tilespmem:v38+s3+$0x0], $0xffff  }
0x276: {  	v4 =	vld.idx.msk [tilespmem:v36+s3+$0x0], $0xffff  }
0x277: {  	v5 =	vld.idx.msk [tilespmem:v37+s3+$0x0], $0xffff  }
0x278: {  	v6 =	vadd.f32 v52, v46;
	v7 =	vld.idx.msk [tilespmem:v35+s3+$0x0], $0xffff  }
0x279: {  	v9 =	vadd.f32 v51, v47;
	v10 =	vld.idx.msk [tilespmem:v34+s3+$0x0], $0xffff;
	v11 =	vadd.f32 v53, v48  }
0x27a: {  	v12 =	vld.idx.msk [tilespmem:v33+s3+$0x0], $0xffff;
	v13 =	vadd.f32 v45, v40;
	v3 =	vadd.f32 v3, v6  }
0x27b: {  	v52 =	vld.idx.msk [tilespmem:v32+s3+$0x0], $0xffff;
	v8 =	vadd.f32 v50, v49;
	v4 =	vadd.f32 v4, v9  }
0x27c: {  	v0 =	vadd.f32 v0, v43;
	v5 =	vadd.f32 v5, v11;
	[tilespmem:s25+$0xFFFFFFC0] =	vst v3  }
0x27d: {  	v1 =	vadd.f32 v1, v44;
	v53 =	vadd.f32 v7, v13;
	[tilespmem:s25+$0xFFFFFFD0] =	vst v4  }
0x27e: {  	v2 =	vadd.f32 v2, v8;
	v0 =	vadd.f32 v10, v0;
	[tilespmem:s26+$0xFFFFFFE0] =	vst v5  }
0x27f: {  	v1 =	vadd.f32 v12, v1;
	[tilespmem:s26+$0xFFFFFFF0] =	vst v53  }
0x280: {  	v2 =	vadd.f32 v52, v2;
	[tilespmem:s26+$0x0] =	vst v0  }
0x281: {  	[tilespmem:s26+$0x10] =	vst v1  }
.Ltmp8:
0x282: {  	[tilespmem:s26+$0x20] =	vst v2;
	(pc) =	sbr.rel @p0 .LBB2_16-.Ltmp8, $4  }
0x283: {  	[hbm4b:s13+s3] =	stream.linear.scatter [tilespmem:s19], [sflag:$0x3], $0x400, $0x38;
	[tilespmem:$0x7800] =	vst v63  }
0x284: {  	_ =	swait.ge [sflag:s22], $0x400  }
0x285: {  	[sflag:s22] =	ssyncset.done $0x0;
	v15 =	vld [tilespmem:$0x1FF80]  }
0x286: {  	v57 =	vmov v29;
	v62 =	vmov v22;
	v56 =	vmov v21;
	v16 =	vld [tilespmem:$0x1FF90];
	[sflag:s22] =	ssyncadd.s32 $0xFFFFFC00  }
0x287: {  	s25 =	simm.s32 $0x0  }
0x288: {  	[tilespmem:s25], [sflag:$0x1] =	stream.linear.gather [hbm4b:s14+s25], $0x1000, $0x38;
	[tilespmem:$0x7800] =	vst v63  }
0x289: {  	_ =	swait.ge [sflag:s18], $0x1000  }
0x28a: {  	v6 =	vld [tilespmem:$0x1FED0]  }
0x28b: {  	v8 =	vld [tilespmem:$0x1FF60]  }
0x28c: {  	v10 =	vld [tilespmem:$0x1FF10]  }
0x28d: {  	v11 =	vld [tilespmem:$0x1FF30]  }
0x28e: {  	v12 =	vld [tilespmem:$0x1FF70]  }
0x28f: {  	v14 =	vld [tilespmem:$0x1FE00]  }
0x290: {  	v17 =	vld [tilespmem:$0x1FE20]  }
0x291: {  	v0 =	vmov s25;
	v19 =	vld [tilespmem:$0x1FF50]  }
0x292: {  	v0 =	vshll.u32 v0, $0x7;
	v20 =	vld [tilespmem:$0x1FF20]  }
0x293: {  	v0 =	vand.u32 $0x380, v0;
	v26 =	vld [tilespmem:$0x1FE10]  }
0x294: {  	v24 =	vld [tilespmem:$0x1FE40];
	v0 =	vbroadcast v0, $0x0  }
0x295: {  	v21 =	vld [tilespmem:$0x1FE70]  }
0x296: {  	v28 =	vld [tilespmem:$0x1FEA0];
	v1 =	vor.u32 v58, v0  }
0x297: {  	v30 =	vld [tilespmem:$0x1FE80];
	v2 =	vor.u32 v60, v0  }
0x298: {  	v25 =	vld [tilespmem:$0x1FE90];
	v3 =	vor.u32 v54, v0  }
0x299: {  	[sflag:s18] =	ssyncset.done $0x0;
	v4 =	vor.u32 v61, v0;
	v33 =	vor.u32 v27, v0;
	v27 =	vld [tilespmem:$0x1FEB0]  }
0x29a: {  	[sflag:s18] =	ssyncadd.s32 $0xFFFFF000;
	v5 =	vor.u32 v55, v0;
	v53 =	vor.u32 v17, v0;
	v17 =	vld [tilespmem:$0x1FE30]  }
0x29b: {  	v7 =	vor.u32 v15, v0;
	v1 =	vld.idx.msk [tilespmem:v1+s3+$0x0], $0xffff  }
0x29c: {  	v9 =	vor.u32 v31, v0;
	v2 =	vld.idx.msk [tilespmem:v2+s3+$0x0], $0xffff  }
0x29d: {  	v13 =	vor.u32 v16, v0;
	v3 =	vld.idx.msk [tilespmem:v3+s3+$0x0], $0xffff  }
0x29e: {  	v18 =	vor.u32 v57, v0;
	v4 =	vld.idx.msk [tilespmem:v4+s3+$0x0], $0xffff  }
0x29f: {  	v6 =	vor.u32 v6, v0;
	v5 =	vld.idx.msk [tilespmem:v5+s3+$0x0], $0xffff  }
0x2a0: {  	v8 =	vor.u32 v8, v0;
	v7 =	vld.idx.msk [tilespmem:v7+s3+$0x0], $0xffff  }
0x2a1: {  	v10 =	vor.u32 v10, v0;
	v9 =	vld.idx.msk [tilespmem:v9+s3+$0x0], $0xffff  }
0x2a2: {  	v13 =	vld.idx.msk [tilespmem:v13+s3+$0x0], $0xffff  }
0x2a3: {  	v11 =	vor.u32 v11, v0;
	v50 =	vld.idx.msk [tilespmem:v18+s3+$0x0], $0xffff  }
0x2a4: {  	v12 =	vor.u32 v12, v0;
	v6 =	vld.idx.msk [tilespmem:v6+s3+$0x0], $0xffff  }
0x2a5: {  	v14 =	vor.u32 v14, v0;
	v8 =	vld.idx.msk [tilespmem:v8+s3+$0x0], $0xffff  }
0x2a6: {  	v10 =	vld.idx.msk [tilespmem:v10+s3+$0x0], $0xffff  }
0x2a7: {  	v16 =	vor.u32 v17, v0;
	v17 =	vld [tilespmem:$0x1FE50]  }
0x2a8: {  	v32 =	vor.u32 v59, v0;
	v11 =	vld.idx.msk [tilespmem:v11+s3+$0x0], $0xffff  }
0x2a9: {  	v44 =	vor.u32 v62, v0;
	v12 =	vld.idx.msk [tilespmem:v12+s3+$0x0], $0xffff  }
0x2aa: {  	v40 =	vor.u32 v19, v0;
	v14 =	vld.idx.msk [tilespmem:v14+s3+$0x0], $0xffff  }
0x2ab: {  	v38 =	vor.u32 v63, v0;
	v43 =	vor.u32 v20, v0;
	v15 =	vld.idx.msk [tilespmem:v53+s3+$0x0], $0xffff;
	v1 =	vadd.f32 v2, v1  }
0x2ac: {  	v34 =	vor.u32 v56, v0;
	v41 =	vor.u32 v26, v0;
	v17 =	vor.u32 v17, v0;
	v62 =	vld.idx.msk [tilespmem:v16+s3+$0x0], $0xffff  }
0x2ad: {  	v39 =	vor.u32 v24, v0;
	v36 =	vor.u32 v21, v0;
	v52 =	vld.idx.msk [tilespmem:v32+s3+$0x0], $0xffff;
	v1 =	vadd.f32 v4, v1  }
0x2ae: {  	v42 =	vor.u32 v28, v0;
	v37 =	vor.u32 v30, v0;
	v45 =	vld.idx.msk [tilespmem:v44+s3+$0x0], $0xffff;
	v46 =	vadd.f32 v5, v3  }
0x2af: {  	v35 =	vor.u32 v25, v0;
	v51 =	vld.idx.msk [tilespmem:v40+s3+$0x0], $0xffff;
	v47 =	vadd.f32 v8, v7;
	v1 =	vadd.f32 v6, v1  }
0x2b0: {  	s25 =	simm.s32 $0x6040;
	v32 =	vor.u32 v27, v0;
	v53 =	vld.idx.msk [tilespmem:v43+s3+$0x0], $0xffff;
	v48 =	vadd.f32 v10, v9;
	v40 =	vadd.f32 v12, v11  }
0x2b1: {  	s28 =	simm.s32 $0x0;
	s29 =	simm.s32 $0x1;
	s26 =	simm.s32 $0x6040;
	v43 =	vadd.f32 v14, v13;
	[tilespmem:s25+$0x30] =	vst v1;
	v49 =	vld.idx.msk [tilespmem:v17+s3+$0x0], $0xffff;
	v44 =	vadd.f32 v62, v15  }
.LBB2_14:
0x2b2: {  	v0 =	vmov s29;
	v23 =	vld [tilespmem:$0x1FF10]  }
0x2b3: {  	v0 =	vshll.u32 v0, $0x7  }
0x2b4: {  	v0 =	vand.u32 $0x380, v0  }
0x2b5: {  	v0 =	vbroadcast v0, $0x0;
	_ =	sdelay $0x1  }
0x2b6: {  	v4 =	vadd.f32 v52, v46;
	v46 =	vor.u32 v23, v0;
	v23 =	vld [tilespmem:$0x1FF30];
	_ =	sdelay $0x4  }
0x2b7: {  	v7 =	vadd.f32 v51, v47;
	v47 =	vor.u32 v23, v0;
	v23 =	vld [tilespmem:$0x1FF70];
	_ =	sdelay $0x4  }
0x2b8: {  	v3 =	vadd.f32 v50, v49;
	v49 =	vor.u32 v23, v0;
	v23 =	vld [tilespmem:$0x1FF90];
	_ =	sdelay $0x4  }
0x2b9: {  	v50 =	vor.u32 v23, v0;
	v23 =	vld [tilespmem:$0x1FE00];
	_ =	sdelay $0x1  }
0x2ba: {  	v1 =	vld.idx.msk [tilespmem:v41+s3+$0x0], $0xffff  }
0x2bb: {  	v2 =	vld.idx.msk [tilespmem:v39+s3+$0x0], $0xffff  }
0x2bc: {  	v5 =	vld.idx.msk [tilespmem:v42+s3+$0x0], $0xffff  }
0x2bd: {  	v52 =	vor.u32 v23, v0;
	v23 =	vld [tilespmem:$0x1FE20]  }
0x2be: {  	v6 =	vld.idx.msk [tilespmem:v38+s3+$0x0], $0xffff  }
0x2bf: {  	v8 =	vld.idx.msk [tilespmem:v36+s3+$0x0], $0xffff  }
0x2c0: {  	v13 =	vld.idx.msk [tilespmem:v37+s3+$0x0], $0xffff  }
0x2c1: {  	v14 =	vld [tilespmem:$0x1FF80]  }
0x2c2: {  	v9 =	vadd.f32 v53, v48;
	v53 =	vor.u32 v23, v0;
	v23 =	vld [tilespmem:$0x1FE30]  }
0x2c3: {  	v15 =	vld [tilespmem:$0x1FF60]  }
0x2c4: {  	v17 =	vld.idx.msk [tilespmem:v35+s3+$0x0], $0xffff  }
0x2c5: {  	v18 =	vld [tilespmem:$0x1FFB0];
	v12 =	vor.u32 v58, v0  }
0x2c6: {  	v48 =	vld.idx.msk [tilespmem:v34+s3+$0x0], $0xffff;
	v16 =	vor.u32 v60, v0  }
0x2c7: {  	v10 =	vor.u32 v54, v0;
	v54 =	vor.u32 v23, v0;
	v23 =	vld [tilespmem:$0x1FE50]  }
0x2c8: {  	v51 =	vld.idx.msk [tilespmem:v33+s3+$0x0], $0xffff  }
0x2c9: {  	v11 =	vor.u32 v55, v0;
	v34 =	vor.u32 v61, v0;
	v55 =	vld.idx.msk [tilespmem:v32+s3+$0x0], $0xffff  }
0x2ca: {  	v12 =	vld.idx.msk [tilespmem:v12+s3+$0x0], $0xffff  }
0x2cb: {  	v14 =	vor.u32 v14, v0;
	v16 =	vld.idx.msk [tilespmem:v16+s3+$0x0], $0xffff  }
0x2cc: {  	v56 =	vor.u32 v23, v0;
	v23 =	vld [tilespmem:$0x1FED0]  }
0x2cd: {  	v15 =	vor.u32 v15, v0;
	v10 =	vld.idx.msk [tilespmem:v10+s3+$0x0], $0xffff  }
0x2ce: {  	v18 =	vor.u32 v18, v0;
	v38 =	vor.u32 v63, v0;
	v63 =	vld.idx.msk [tilespmem:v34+s3+$0x0], $0xffff  }
0x2cf: {  	v11 =	vld.idx.msk [tilespmem:v11+s3+$0x0], $0xffff  }
0x2d0: {  	v14 =	vld.idx.msk [tilespmem:v14+s3+$0x0], $0xffff  }
0x2d1: {  	v58 =	vor.u32 v23, v0;
	v23 =	vld [tilespmem:$0x1FFA0]  }
0x2d2: {  	v60 =	vor.u32 v19, v0;
	v15 =	vld.idx.msk [tilespmem:v15+s3+$0x0], $0xffff  }
0x2d3: {  	v3 =	vadd.f32 v5, v3;
	v5 =	vld.idx.msk [tilespmem:v18+s3+$0x0], $0xffff  }
0x2d4: {  	v4 =	vadd.f32 v6, v4;
	v6 =	vadd.f32 v8, v7;
	v7 =	vld.idx.msk [tilespmem:v46+s3+$0x0], $0xffff  }
0x2d5: {  	v2 =	vadd.f32 v2, v44;
	v3 =	vadd.f32 v55, v3;
	v55 =	vld [tilespmem:$0x1FEE0]  }
0x2d6: {  	[tilespmem:s25+$0xFFFFFFD0] =	vst v6;
	v59 =	vor.u32 v23, v0;
	v23 =	vld [tilespmem:$0x1FFC0]  }
0x2d7: {  	v2 =	vadd.f32 v51, v2;
	v51 =	vld.idx.msk [tilespmem:v60+s3+$0x0], $0xffff  }
0x2d8: {  	v40 =	vadd.f32 v45, v40;
	v62 =	vor.u32 v22, v0;
	v60 =	vld [tilespmem:$0x1FF00];
	v12 =	vadd.f32 v16, v12  }
0x2d9: {  	v46 =	vadd.f32 v11, v10;
	v10 =	vld.idx.msk [tilespmem:v47+s3+$0x0], $0xffff  }
0x2da: {  	v40 =	vadd.f32 v17, v40;
	v12 =	vadd.f32 v63, v12;
	v63 =	vld [tilespmem:$0x1FE60]  }
0x2db: {  	v34 =	vor.u32 v23, v0;
	v23 =	vld [tilespmem:$0x1FFD0]  }
0x2dc: {  	v61 =	vor.u32 v20, v0;
	v1 =	vadd.f32 v1, v43;
	v43 =	vld.idx.msk [tilespmem:v49+s3+$0x0], $0xffff;
	[tilespmem:s26+$0xFFFFFFF0] =	vst v40  }
0x2dd: {  	v57 =	vor.u32 v29, v0;
	v41 =	vor.u32 v26, v0;
	v39 =	vor.u32 v24, v0;
	v45 =	vld.idx.msk [tilespmem:v62+s3+$0x0], $0xffff  }
0x2de: {  	v36 =	vor.u32 v21, v0;
	v42 =	vor.u32 v28, v0;
	v9 =	vadd.f32 v13, v9;
	v13 =	vld.idx.msk [tilespmem:v52+s3+$0x0], $0xffff  }
0x2df: {  	v37 =	vor.u32 v30, v0;
	v35 =	vor.u32 v25, v0;
	v47 =	vadd.f32 v15, v14;
	v14 =	vld.idx.msk [tilespmem:v53+s3+$0x0], $0xffff  }
0x2e0: {  	v32 =	vor.u32 v27, v0;
	[tilespmem:s26+$0xFFFFFFE0] =	vst v9;
	v33 =	vor.u32 v23, v0;
	v0 =	vld.idx.msk [tilespmem:v58+s3+$0x0], $0xffff  }
0x2e1: {  	v53 =	vld.idx.msk [tilespmem:v61+s3+$0x0], $0xffff  }
0x2e2: {  	v61 =	vld [tilespmem:$0x1FF40]  }
0x2e3: {  	v15 =	vld.idx.msk [tilespmem:v54+s3+$0x0], $0xffff  }
0x2e4: {  	s28 =	sadd.s32 $0x8, s28;
	v54 =	vld [tilespmem:$0x1FEC0]  }
0x2e5: {  	p1 =	slt.u32 s28, $0x38;
	v0 =	vadd.f32 v0, v12;
	v12 =	vld.idx.msk [tilespmem:v50+s3+$0x0], $0xffff  }
.Ltmp9:
0x2e6: {  	v1 =	vadd.f32 v48, v1;
	[tilespmem:s25+$0xFFFFFFC0] =	vst v4;
	v49 =	vld.idx.msk [tilespmem:v56+s3+$0x0], $0xffff;
	(pc) =	sbr.rel @p1 .LBB2_14-.Ltmp9, $4  }
0x2e7: {  	[tilespmem:s26+$0x10] =	vst v2;
	v52 =	vld.idx.msk [tilespmem:v59+s3+$0x0], $0xffff  }
0x2e8: {  	v59 =	vld [tilespmem:$0x1FFA0];
	[tilespmem:s26+$0x0] =	vst v1  }
0x2e9: {  	s25 =	sadd.s32 $0x80, s25;
	v48 =	vadd.f32 v7, v5;
	v40 =	vadd.f32 v43, v10;
	v50 =	vld.idx.msk [tilespmem:v57+s3+$0x0], $0xffff;
	[tilespmem:s26+$0x20] =	vst v3  }
0x2ea: {  	s29 =	sadd.s32 $0x1, s29;
	v44 =	vadd.f32 v15, v14;
	v58 =	vld [tilespmem:$0x1FEF0];
	s26 =	smov.u32 s25;
	[tilespmem:s25+$0x30] =	vst v0;
	v43 =	vadd.f32 v13, v12  }
0x2eb: {  	_ =	sdelay $0x3  }
0x2ec: {  	v0 =	vld.idx.msk [tilespmem:v41+s3+$0x0], $0xffff  }
0x2ed: {  	v1 =	vld.idx.msk [tilespmem:v39+s3+$0x0], $0xffff  }
0x2ee: {  	v2 =	vld.idx.msk [tilespmem:v42+s3+$0x0], $0xffff  }
0x2ef: {  	v3 =	vld.idx.msk [tilespmem:v38+s3+$0x0], $0xffff  }
0x2f0: {  	v4 =	vld.idx.msk [tilespmem:v36+s3+$0x0], $0xffff  }
0x2f1: {  	v5 =	vld.idx.msk [tilespmem:v37+s3+$0x0], $0xffff  }
0x2f2: {  	v7 =	vld.idx.msk [tilespmem:v35+s3+$0x0], $0xffff;
	v6 =	vadd.f32 v52, v46  }
0x2f3: {  	v9 =	vadd.f32 v51, v47;
	v10 =	vld.idx.msk [tilespmem:v34+s3+$0x0], $0xffff;
	v11 =	vadd.f32 v53, v48  }
0x2f4: {  	v12 =	vld.idx.msk [tilespmem:v33+s3+$0x0], $0xffff;
	v13 =	vadd.f32 v45, v40;
	v3 =	vadd.f32 v3, v6  }
0x2f5: {  	v56 =	vld.idx.msk [tilespmem:v32+s3+$0x0], $0xffff;
	v8 =	vadd.f32 v50, v49;
	v4 =	vadd.f32 v4, v9  }
0x2f6: {  	v0 =	vadd.f32 v0, v43;
	v5 =	vadd.f32 v5, v11;
	[tilespmem:s25+$0xFFFFFFC0] =	vst v3  }
0x2f7: {  	v1 =	vadd.f32 v1, v44;
	v63 =	vadd.f32 v7, v13;
	[tilespmem:s25+$0xFFFFFFD0] =	vst v4  }
0x2f8: {  	v2 =	vadd.f32 v2, v8;
	v0 =	vadd.f32 v10, v0;
	[tilespmem:s26+$0xFFFFFFE0] =	vst v5  }
0x2f9: {  	v1 =	vadd.f32 v12, v1;
	[tilespmem:s26+$0xFFFFFFF0] =	vst v63  }
0x2fa: {  	v2 =	vadd.f32 v56, v2;
	[tilespmem:s26+$0x0] =	vst v0  }
0x2fb: {  	[tilespmem:s26+$0x10] =	vst v1  }
0x2fc: {  	[tilespmem:s26+$0x20] =	vst v2  }
0x2fd: {  	[hbm4b:s15+s3] =	stream.linear.scatter [tilespmem:s19], [sflag:$0x3], $0x400, $0x38;
	[tilespmem:$0x7800] =	vst v63  }
.Ltmp10:
0x2fe: {  	_ =	swait.ge [sflag:s22], $0x400;
	(pc) =	sbr.rel .LBB2_16-.Ltmp10, $4  }
0x2ff: {  	v16 =	vld [tilespmem:$0x1FF90]  }
0x300: {  	v56 =	vld [tilespmem:$0x1FFC0]  }
0x301: {  	[sflag:s22] =	ssyncset.done $0x0;
	v27 =	vld [tilespmem:$0x1FFD0]  }
0x302: {  	v57 =	vmov v29;
	v62 =	vmov v22;
	v15 =	vld [tilespmem:$0x1FF80];
	[sflag:s22] =	ssyncadd.s32 $0xFFFFFC00  }
.LBB2_17:
0x303: {  	_ =	sfence.sel $0x180000  }
0x304: {  	[bflag:$0x0] =	sbarrier.arrive $0xFFFF  }
0x305: {  	p0 =	sne.s32 s0, $0x0;
	_ =	strace $0x90000047  }
0x306: {  	s0 =	sadd.s32 @!p0 $0x100000, s2;
	[bflag:$0x2] =	sbarrier.arrive $0xFFFF  }
0x307: {  	[sflag:s0] =	ssyncadd.tile.s32 @!p0 $0x1;
	_ =	shalt  }
.Lfunc_end2:
_tile_overlayer_lowered:
.L_overlay_start_2:
0x308: {  	(tag) =	ssettag $0x2  }
0x309: {  	s0 =	rddreg [dreg:$0x0];
	s2 =	stileid.u32  }
0x30a: {  	s1 =	rddreg [dreg:$0x1];
	p0 =	sne.s32 s2, $0x0  }
0x30b: {  	s3 =	rddreg [dreg:$0x2];
	[bflag:$0x3] =	sbarrier.arrive $0xFFFF;
	s2 =	simm.s32 @!p0 $0x1C05  }
0x30c: {  	[timem:s3], [sflag:s2] =	dma.local @!p0 [hbm:s0], s1  }
0x30d: {  	s0 =	simm.s32 @!p0 $0x5  }
0x30e: {  	_ =	swait.ge @!p0 [sflag:s0], s1  }
0x30f: {  	s1 =	ssub.s32 @!p0 $0x0, s1;
	[sflag:s0] =	ssyncset.done @!p0 $0x0  }
0x310: {  	[sflag:s0] =	ssyncadd.s32 @!p0 s1  }
0x311: {  	[bflag:$0x3] =	sbarrier.arrive $0xFFFF  }
0x312: {  	_ =	shalt  }

</sc_bundles>
